<compile_context>
chip_gen: v7x
topology: tpu7x:2x2x1
jax: 0.10.2.dev20260603
libtpu: 0.0.44.dev20260713+nightly
codegen_flags: <defaults>
</compile_context>

<pallas_src>
import functools

import jax
import jax.numpy as jnp
from jax import lax
from jax.experimental import pallas as pl
from jax.experimental.pallas import tpu as pltpu
from jax.experimental.pallas import tpu_sc as plsc

N = 10000
D_IN = 128
H = 64
E = 640000

NC = 2
NS = 16
NW = NC * NS
CW = 128
CHUNKS = 158
EP = NW * CHUNKS * CW
NPAD = 10112
RPT = NPAD // NS
PAD_ROW = 10008
DW = 16

def _deg_body(dst_hbm, ones_hbm, zeros_hbm, out_hbm, dst_v, ones_v, acc):
    c = lax.axis_index("c")
    s = lax.axis_index("s")
    w = s * NC + c
    row0 = s * RPT
    pltpu.sync_copy(dst_hbm.at[w], dst_v)
    pltpu.sync_copy(ones_hbm, ones_v)
    pltpu.sync_copy(zeros_hbm.at[pl.ds(row0, RPT)], acc.at[pl.ds(row0, RPT)])
    plsc.subcore_barrier()

    def chunk(j, carry):
        pltpu.sync_copy(ones_v, acc.at[dst_v.at[j]], add=True)
        return carry

    lax.fori_loop(0, CHUNKS, chunk, 0)
    plsc.subcore_barrier()
    pltpu.sync_copy(acc.at[pl.ds(row0, RPT)], out_hbm.at[c, pl.ds(row0, RPT)])


@functools.lru_cache(maxsize=None)
def _get_sc_deg():
    mesh = plsc.VectorSubcoreMesh(
        core_axis_name="c", subcore_axis_name="s",
        num_cores=NC, num_subcores=NS)
    return pl.kernel(
        _deg_body,
        out_type=jax.ShapeDtypeStruct((NC, NPAD, DW), jnp.float32),
        mesh=mesh,
        compiler_params=pltpu.CompilerParams(use_tc_tiling_on_sc=False),
        scratch_types=[
            pltpu.VMEM((CHUNKS, CW), jnp.int32),
            pltpu.VMEM((CW, DW), jnp.float32),
            pltpu.VMEM_SHARED((NPAD, DW), jnp.float32),
        ],
    )


def _agg_body(xs_hbm, src_hbm, dst_hbm, zeros_hbm, out_hbm,
              src_v, dst_v, rows0, rows1, acc, g0, g1):
    c = lax.axis_index("c")
    s = lax.axis_index("s")
    w = s * NC + c
    row0 = s * RPT
    pltpu.sync_copy(src_hbm.at[w], src_v)
    pltpu.sync_copy(dst_hbm.at[w], dst_v)
    pltpu.sync_copy(zeros_hbm.at[pl.ds(row0, RPT)], acc.at[pl.ds(row0, RPT)])
    plsc.subcore_barrier()

    pltpu.async_copy(xs_hbm.at[src_v.at[0]], rows0, g0)

    def pair(jj, carry):
        j0 = jj * 2
        pltpu.async_copy(xs_hbm.at[src_v.at[j0 + 1]], rows1, g1)
        pltpu.make_async_copy(xs_hbm.at[src_v.at[j0]], rows0, g0).wait()
        pltpu.sync_copy(rows0, acc.at[dst_v.at[j0]], add=True)

        @pl.when(j0 + 2 < CHUNKS)
        def _():
            pltpu.async_copy(xs_hbm.at[src_v.at[j0 + 2]], rows0, g0)

        pltpu.make_async_copy(xs_hbm.at[src_v.at[j0 + 1]], rows1, g1).wait()
        pltpu.sync_copy(rows1, acc.at[dst_v.at[j0 + 1]], add=True)
        return carry

    lax.fori_loop(0, CHUNKS // 2, pair, 0)
    plsc.subcore_barrier()
    pltpu.sync_copy(acc.at[pl.ds(row0, RPT)], out_hbm.at[c, pl.ds(row0, RPT)])


@functools.lru_cache(maxsize=None)
def _get_sc_agg():
    mesh = plsc.VectorSubcoreMesh(
        core_axis_name="c", subcore_axis_name="s",
        num_cores=NC, num_subcores=NS)
    return pl.kernel(
        _agg_body,
        out_type=jax.ShapeDtypeStruct((NC, NPAD, H), jnp.float32),
        mesh=mesh,
        compiler_params=pltpu.CompilerParams(use_tc_tiling_on_sc=False),
        scratch_types=[
            pltpu.VMEM((CHUNKS, CW), jnp.int32),
            pltpu.VMEM((CHUNKS, CW), jnp.int32),
            pltpu.VMEM((CW, H), jnp.float32),
            pltpu.VMEM((CW, H), jnp.float32),
            pltpu.VMEM_SHARED((NPAD, H), jnp.float32),
            pltpu.SemaphoreType.DMA,
            pltpu.SemaphoreType.DMA,
        ],
    )

R = 1000
_GRID = (N // R,)


def _dinv_of(dp):
    deg = dp[0, :, 0:1] + dp[1, :, 0:1] + 1.0
    return 1.0 / jnp.sqrt(deg)


def _first_body(x_ref, w_ref, dp_ref, o_ref):
    dinv = _dinv_of(dp_ref[...])
    xw = jnp.dot(x_ref[...], w_ref[...], preferred_element_type=jnp.float32)
    o_ref[...] = dinv * xw


_tc_first = pl.pallas_call(
    _first_body,
    grid=_GRID,
    in_specs=[
        pl.BlockSpec((R, D_IN), lambda i: (i, 0)),
        pl.BlockSpec((D_IN, H), lambda i: (0, 0)),
        pl.BlockSpec((NC, R, DW), lambda i: (0, i, 0)),
    ],
    out_specs=pl.BlockSpec((R, H), lambda i: (i, 0)),
    out_shape=jax.ShapeDtypeStruct((N, H), jnp.float32),
)


def _mid_body(p_ref, xs_ref, dp_ref, b_ref, w_ref, o_ref):
    dinv = _dinv_of(dp_ref[...])
    agg = p_ref[0] + p_ref[1] + xs_ref[...]
    h = jnp.maximum(dinv * agg + b_ref[...], 0.0)
    hw = jnp.dot(h, w_ref[...], preferred_element_type=jnp.float32)
    o_ref[...] = dinv * hw


_tc_mid = pl.pallas_call(
    _mid_body,
    grid=_GRID,
    in_specs=[
        pl.BlockSpec((NC, R, H), lambda i: (0, i, 0)),
        pl.BlockSpec((R, H), lambda i: (i, 0)),
        pl.BlockSpec((NC, R, DW), lambda i: (0, i, 0)),
        pl.BlockSpec((1, H), lambda i: (0, 0)),
        pl.BlockSpec((H, H), lambda i: (0, 0)),
    ],
    out_specs=pl.BlockSpec((R, H), lambda i: (i, 0)),
    out_shape=jax.ShapeDtypeStruct((N, H), jnp.float32),
)


def _pred_body(p_ref, xs_ref, dp_ref, b3_ref, wp1_ref, bp1_ref, wp2_ref,
               bp2_ref, o_ref):
    dinv = _dinv_of(dp_ref[...])
    agg = p_ref[0] + p_ref[1] + xs_ref[...]
    h3 = jnp.maximum(dinv * agg + b3_ref[...], 0.0)
    hp = jnp.maximum(
        jnp.dot(h3, wp1_ref[...], preferred_element_type=jnp.float32)
        + bp1_ref[...], 0.0)
    o_ref[...] = (
        jnp.dot(hp, wp2_ref[...], preferred_element_type=jnp.float32)
        + bp2_ref[...])


_tc_pred = pl.pallas_call(
    _pred_body,
    grid=_GRID,
    in_specs=[
        pl.BlockSpec((NC, R, H), lambda i: (0, i, 0)),
        pl.BlockSpec((R, H), lambda i: (i, 0)),
        pl.BlockSpec((NC, R, DW), lambda i: (0, i, 0)),
        pl.BlockSpec((1, H), lambda i: (0, 0)),
        pl.BlockSpec((H, H // 2), lambda i: (0, 0)),
        pl.BlockSpec((1, H // 2), lambda i: (0, 0)),
        pl.BlockSpec((H // 2, 1), lambda i: (0, 0)),
        pl.BlockSpec((1, 1), lambda i: (0, 0)),
    ],
    out_specs=pl.BlockSpec((R, 1), lambda i: (i, 0)),
    out_shape=jax.ShapeDtypeStruct((N, 1), jnp.float32),
)


def kernel(x, edge_index, batch, W1, b1, W2, b2, W3, b3, Wp1, bp1, Wp2, bp2):
    pad = EP - E
    src3 = jnp.concatenate(
        [edge_index[0], jnp.zeros((pad,), jnp.int32)]).reshape(NW, CHUNKS, CW)
    dst3 = jnp.concatenate(
        [edge_index[1], jnp.full((pad,), PAD_ROW, jnp.int32)]
    ).reshape(NW, CHUNKS, CW)
    zeros_h = jnp.zeros((NPAD, H), jnp.float32)
    zeros_d = jnp.zeros((NPAD, DW), jnp.float32)
    ones_d = jnp.ones((CW, DW), jnp.float32)

    sc_deg = _get_sc_deg()
    sc_agg = _get_sc_agg()
    degp = sc_deg(dst3, ones_d, zeros_d)
    xs1 = _tc_first(x, W1, degp)
    p1 = sc_agg(xs1, src3, dst3, zeros_h)
    xs2 = _tc_mid(p1, xs1, degp, b1.reshape(1, H), W2)
    p2 = sc_agg(xs2, src3, dst3, zeros_h)
    xs3 = _tc_mid(p2, xs2, degp, b2.reshape(1, H), W3)
    p3 = sc_agg(xs3, src3, dst3, zeros_h)
    out = _tc_pred(p3, xs3, degp, b3.reshape(1, H), Wp1,
                   bp1.reshape(1, H // 2), Wp2, bp2.reshape(1, 1))
    return out

# --- scband reference (transcript-rebuilt; emitter-appended) ---
"""Pipeline reference for scband-pdprediction-gnn-8624294331203 (READ-ONLY COPY).

The authoritative reference and input builder live on the scoring server;
editing this copy changes nothing except your own understanding.
"""

import jax, jax.numpy as jnp
import numpy as np

N = 10000
E = 640000
D_IN = 128
H = 64


def setup_inputs(seed: int = 0) -> dict:
    key = jax.random.key(seed)
    ks = jax.random.split(key, 16)
    x = jax.random.normal(ks[0], (N, D_IN), dtype=jnp.float32)
    edge_index = jax.random.randint(ks[1], (2, E), 0, N, dtype=jnp.int32)
    batch = jnp.zeros((N,), dtype=jnp.int32)
    # GCN layer weights (PyG GCNConv: y = norm_adj @ (x @ W) + b)
    W1 = jax.random.normal(ks[2], (D_IN, H), dtype=jnp.float32) * (1.0 / np.sqrt(D_IN))
    b1 = jnp.zeros((H,), dtype=jnp.float32)
    W2 = jax.random.normal(ks[3], (H, H), dtype=jnp.float32) * (1.0 / np.sqrt(H))
    b2 = jnp.zeros((H,), dtype=jnp.float32)
    W3 = jax.random.normal(ks[4], (H, H), dtype=jnp.float32) * (1.0 / np.sqrt(H))
    b3 = jnp.zeros((H,), dtype=jnp.float32)
    # predictor: Linear(H, H//2) -> ReLU -> Dropout -> Linear(H//2, 1)
    Wp1 = jax.random.normal(ks[5], (H, H // 2), dtype=jnp.float32) * (1.0 / np.sqrt(H))
    bp1 = jnp.zeros((H // 2,), dtype=jnp.float32)
    Wp2 = jax.random.normal(ks[6], (H // 2, 1), dtype=jnp.float32) * (1.0 / np.sqrt(H // 2))
    bp2 = jnp.zeros((1,), dtype=jnp.float32)
    return {"x": x, "edge_index": edge_index, "batch": batch,
            "W1": W1, "b1": b1, "W2": W2, "b2": b2, "W3": W3, "b3": b3,
            "Wp1": Wp1, "bp1": bp1, "Wp2": Wp2, "bp2": bp2}


def _gcn_conv(x, src, dst, W, b, n):
    # symmetric-normalized GCN aggregation with self-loops already in (src, dst)
    xw = x @ W
    deg = jnp.zeros((n,), dtype=x.dtype).at[dst].add(1.0)
    dinv = jnp.where(deg > 0, 1.0 / jnp.sqrt(deg), 0.0)
    norm = dinv[src] * dinv[dst]
    msg = xw[src] * norm[:, None]
    out = jax.ops.segment_sum(msg, dst, num_segments=n)
    return out + b


def reference(x, edge_index, batch, W1, b1, W2, b2, W3, b3, Wp1, bp1, Wp2, bp2):
    n = x.shape[0]
    loop = jnp.arange(n, dtype=edge_index.dtype)
    src = jnp.concatenate([edge_index[0], loop])
    dst = jnp.concatenate([edge_index[1], loop])
    h = jax.nn.relu(_gcn_conv(x, src, dst, W1, b1, n))
    # dropout is identity in eval mode
    h = jax.nn.relu(_gcn_conv(h, src, dst, W2, b2, n))
    h = jax.nn.relu(_gcn_conv(h, src, dst, W3, b3, n))
    h = jax.nn.relu(h @ Wp1 + bp1)
    out = h @ Wp2 + bp2
    return out

if __name__ == "__main__":
    import jax
    _d = setup_inputs()
    print(jax.jit(kernel)(*tuple(_d.values())))

</pallas_src>

<mosaic_0001>
#map = affine_map<(d0, d1) -> (0, 0, 0)>
#map1 = affine_map<(d0, d1) -> (0, 0)>
module attributes {stable_mosaic.version = 14 : i64} {
  func.func @_deg_body(%arg0: i32, %arg1: i32, %arg2: memref<32x158x128xi32, #tpu.memory_space<hbm>>, %arg3: memref<128x16xf32, #tpu.memory_space<hbm>>, %arg4: memref<10112x16xf32, #tpu.memory_space<hbm>>, %arg5: memref<2x10112x16xf32, #tpu.memory_space<hbm>>, %arg6: memref<158x128xi32, #tpu.memory_space<vmem>>, %arg7: memref<128x16xf32, #tpu.memory_space<vmem>>, %arg8: memref<10112x16xf32, #tpu.memory_space<vmem_shared>>) attributes {dimension_semantics = [#tpu.dimension_semantics<core_parallel>, #tpu.dimension_semantics<subcore_parallel>], iteration_bounds = array<i64: 2, 16>, scalar_prefetch = 0 : i64, scratch_operands = 3 : i64, tpu.core_type = #tpu.core_type<sc_vector_subcore>, window_params = [{transform_indices = #map}, {transform_indices = #map1}, {transform_indices = #map1}, {transform_indices = #map}]} {
    %mul3A = arith.constant 2 : i32
    %mul3A_0 = arith.muli %arg1, %mul3A : i32
    %add3A = arith.addi %mul3A_0, %arg0 : i32
    %mul3A_1 = arith.constant 632 : i32
    %mul3A_2 = arith.muli %arg1, %mul3A_1 : i32
    "tpu.region"() ({
      %run_scoped3A = tpu.sem_alloc : memref<!tpu.dma_semaphore, #tpu.memory_space<semaphore_mem>>
      %dma_start3A = arith.constant 0 : i32
      %dma_start3A_9 = arith.constant 0 : i32
      %dma_start3A_10 = tpu.memref_slice %arg2[%add3A, %dma_start3A, %dma_start3A_9] : memref<32x158x128xi32, #tpu.memory_space<hbm>> -> memref<1x158x128xi32, #tpu.memory_space<hbm>>
      %dma_start3A_11 = tpu.memref_squeeze %dma_start3A_10 : memref<1x158x128xi32, #tpu.memory_space<hbm>> -> memref<158x128xi32, #tpu.memory_space<hbm>>
      %dma_start3A_12 = arith.constant 0 : i32
      %dma_start3A_13 = arith.constant 0 : i32
      %dma_start3A_14 = tpu.memref_slice %arg2[%add3A, %dma_start3A_12, %dma_start3A_13] : memref<32x158x128xi32, #tpu.memory_space<hbm>> -> memref<1x158x128xi32, #tpu.memory_space<hbm>>
      %dma_start3A_15 = tpu.memref_squeeze %dma_start3A_14 : memref<1x158x128xi32, #tpu.memory_space<hbm>> -> memref<158x128xi32, #tpu.memory_space<hbm>>
      tpu.enqueue_dma source(%dma_start3A_15 : memref<158x128xi32, #tpu.memory_space<hbm>>) target(%arg6 : memref<158x128xi32, #tpu.memory_space<vmem>>) target_semaphore(%run_scoped3A : memref<!tpu.dma_semaphore, #tpu.memory_space<semaphore_mem>>)
      %dma_wait3A = arith.constant 0 : i32
      %dma_wait3A_16 = arith.constant 0 : i32
      %dma_wait3A_17 = tpu.memref_slice %arg2[%add3A, %dma_wait3A, %dma_wait3A_16] : memref<32x158x128xi32, #tpu.memory_space<hbm>> -> memref<1x158x128xi32, #tpu.memory_space<hbm>>
      %dma_wait3A_18 = tpu.memref_squeeze %dma_wait3A_17 : memref<1x158x128xi32, #tpu.memory_space<hbm>> -> memref<158x128xi32, #tpu.memory_space<hbm>>
      %dma_wait3A_19 = arith.constant 0 : i32
      %dma_wait3A_20 = arith.constant 0 : i32
      %dma_wait3A_21 = tpu.memref_slice %arg2[%add3A, %dma_wait3A_19, %dma_wait3A_20] : memref<32x158x128xi32, #tpu.memory_space<hbm>> -> memref<1x158x128xi32, #tpu.memory_space<hbm>>
      %dma_wait3A_22 = tpu.memref_squeeze %dma_wait3A_21 : memref<1x158x128xi32, #tpu.memory_space<hbm>> -> memref<158x128xi32, #tpu.memory_space<hbm>>
      tpu.wait_dma2 semaphore(%run_scoped3A : memref<!tpu.dma_semaphore, #tpu.memory_space<semaphore_mem>>) src(%dma_wait3A_22 : memref<158x128xi32, #tpu.memory_space<hbm>>) dst(%arg6 : memref<158x128xi32, #tpu.memory_space<vmem>>)
      tpu.yield
    }) : () -> ()
    "tpu.region"() ({
      %run_scoped3A = tpu.sem_alloc : memref<!tpu.dma_semaphore, #tpu.memory_space<semaphore_mem>>
      tpu.enqueue_dma source(%arg3 : memref<128x16xf32, #tpu.memory_space<hbm>>) target(%arg7 : memref<128x16xf32, #tpu.memory_space<vmem>>) target_semaphore(%run_scoped3A : memref<!tpu.dma_semaphore, #tpu.memory_space<semaphore_mem>>)
      tpu.wait_dma2 semaphore(%run_scoped3A : memref<!tpu.dma_semaphore, #tpu.memory_space<semaphore_mem>>) src(%arg3 : memref<128x16xf32, #tpu.memory_space<hbm>>) dst(%arg7 : memref<128x16xf32, #tpu.memory_space<vmem>>)
      tpu.yield
    }) : () -> ()
    "tpu.region"() ({
      %run_scoped3A = tpu.sem_alloc : memref<!tpu.dma_semaphore, #tpu.memory_space<semaphore_mem>>
      %dma_start3A = arith.constant 0 : i32
      %dma_start3A_9 = tpu.memref_slice %arg8[%mul3A_2, %dma_start3A] : memref<10112x16xf32, #tpu.memory_space<vmem_shared>> -> memref<632x16xf32, #tpu.memory_space<vmem_shared>>
      %dma_start3A_10 = arith.constant 0 : i32
      %dma_start3A_11 = tpu.memref_slice %arg4[%mul3A_2, %dma_start3A_10] : memref<10112x16xf32, #tpu.memory_space<hbm>> -> memref<632x16xf32, #tpu.memory_space<hbm>>
      tpu.enqueue_dma source(%dma_start3A_11 : memref<632x16xf32, #tpu.memory_space<hbm>>) target(%dma_start3A_9 : memref<632x16xf32, #tpu.memory_space<vmem_shared>>) target_semaphore(%run_scoped3A : memref<!tpu.dma_semaphore, #tpu.memory_space<semaphore_mem>>)
      %dma_wait3A = arith.constant 0 : i32
      %dma_wait3A_12 = tpu.memref_slice %arg8[%mul3A_2, %dma_wait3A] : memref<10112x16xf32, #tpu.memory_space<vmem_shared>> -> memref<632x16xf32, #tpu.memory_space<vmem_shared>>
      %dma_wait3A_13 = arith.constant 0 : i32
      %dma_wait3A_14 = tpu.memref_slice %arg4[%mul3A_2, %dma_wait3A_13] : memref<10112x16xf32, #tpu.memory_space<hbm>> -> memref<632x16xf32, #tpu.memory_space<hbm>>
      tpu.wait_dma2 semaphore(%run_scoped3A : memref<!tpu.dma_semaphore, #tpu.memory_space<semaphore_mem>>) src(%dma_wait3A_14 : memref<632x16xf32, #tpu.memory_space<hbm>>) dst(%dma_wait3A_12 : memref<632x16xf32, #tpu.memory_space<vmem_shared>>)
      tpu.yield
    }) : () -> ()
    %barrier3A = arith.constant 0 : index
    tpu.barrier barrier_id(%barrier3A)
    %scan3A = arith.constant 0 : i32
    %scan3A_3 = arith.constant 0 : i32
    %scan3A_4 = arith.constant 158 : i32
    %scan3A_5 = arith.addi %scan3A_3, %scan3A_4 : i32
    %scan3A_6 = arith.constant 1 : i32
    scf.for %scan3A_9 = %scan3A_3 to %scan3A_5 step %scan3A_6  : i32 {
      "tpu.region"() ({
        %run_scoped3A = tpu.sem_alloc : memref<!tpu.dma_semaphore, #tpu.memory_space<semaphore_mem>>
        %dma_start3A = arith.constant 0 : i32
        %dma_start3A_10 = tpu.memref_slice %arg6[%scan3A_9, %dma_start3A] : memref<158x128xi32, #tpu.memory_space<vmem>> -> memref<1x128xi32, #tpu.memory_space<vmem>>
        %dma_start3A_11 = tpu.memref_squeeze %dma_start3A_10 : memref<1x128xi32, #tpu.memory_space<vmem>> -> memref<128xi32, #tpu.memory_space<vmem>>
        %dma_start3A_12 = arith.constant 0 : i32
        %dma_start3A_13 = arith.constant 0 : i32
        %dma_start3A_14 = tpu.memref_slice %arg8[%dma_start3A_12, %dma_start3A_13] : memref<10112x16xf32, #tpu.memory_space<vmem_shared>> -> memref<10112x16xf32, #tpu.memory_space<vmem_shared>>
        tpu.enqueue_indirect_dma source(%arg7 : memref<128x16xf32, #tpu.memory_space<vmem>>) target(%dma_start3A_14 : memref<10112x16xf32, #tpu.memory_space<vmem_shared>>) offsets(%dma_start3A_11 : memref<128xi32, #tpu.memory_space<vmem>>) semaphore(%run_scoped3A : memref<!tpu.dma_semaphore, #tpu.memory_space<semaphore_mem>>) {add = true}
        %dma_wait3A = arith.constant 0 : i32
        %dma_wait3A_15 = tpu.memref_slice %arg6[%scan3A_9, %dma_wait3A] : memref<158x128xi32, #tpu.memory_space<vmem>> -> memref<1x128xi32, #tpu.memory_space<vmem>>
        %dma_wait3A_16 = tpu.memref_squeeze %dma_wait3A_15 : memref<1x128xi32, #tpu.memory_space<vmem>> -> memref<128xi32, #tpu.memory_space<vmem>>
        %dma_wait3A_17 = arith.constant 0 : i32
        %dma_wait3A_18 = arith.constant 0 : i32
        %dma_wait3A_19 = tpu.memref_slice %arg8[%dma_wait3A_17, %dma_wait3A_18] : memref<10112x16xf32, #tpu.memory_space<vmem_shared>> -> memref<10112x16xf32, #tpu.memory_space<vmem_shared>>
        tpu.wait_indirect_dma semaphore(%run_scoped3A : memref<!tpu.dma_semaphore, #tpu.memory_space<semaphore_mem>>) src(%arg7 : memref<128x16xf32, #tpu.memory_space<vmem>>) dst(%dma_wait3A_19 : memref<10112x16xf32, #tpu.memory_space<vmem_shared>>)
        tpu.yield
      }) : () -> ()
    }
    %scan3A_7 = arith.constant 158 : i32
    %barrier3A_8 = arith.constant 0 : index
    tpu.barrier barrier_id(%barrier3A_8)
    "tpu.region"() ({
      %run_scoped3A = tpu.sem_alloc : memref<!tpu.dma_semaphore, #tpu.memory_space<semaphore_mem>>
      %dma_start3A = arith.constant 0 : i32
      %dma_start3A_9 = tpu.memref_slice %arg5[%arg0, %mul3A_2, %dma_start3A] : memref<2x10112x16xf32, #tpu.memory_space<hbm>> -> memref<1x632x16xf32, #tpu.memory_space<hbm>>
      %dma_start3A_10 = tpu.memref_squeeze %dma_start3A_9 : memref<1x632x16xf32, #tpu.memory_space<hbm>> -> memref<632x16xf32, #tpu.memory_space<hbm>>
      %dma_start3A_11 = arith.constant 0 : i32
      %dma_start3A_12 = tpu.memref_slice %arg8[%mul3A_2, %dma_start3A_11] : memref<10112x16xf32, #tpu.memory_space<vmem_shared>> -> memref<632x16xf32, #tpu.memory_space<vmem_shared>>
      tpu.enqueue_dma source(%dma_start3A_12 : memref<632x16xf32, #tpu.memory_space<vmem_shared>>) target(%dma_start3A_10 : memref<632x16xf32, #tpu.memory_space<hbm>>) target_semaphore(%run_scoped3A : memref<!tpu.dma_semaphore, #tpu.memory_space<semaphore_mem>>)
      %dma_wait3A = arith.constant 0 : i32
      %dma_wait3A_13 = tpu.memref_slice %arg5[%arg0, %mul3A_2, %dma_wait3A] : memref<2x10112x16xf32, #tpu.memory_space<hbm>> -> memref<1x632x16xf32, #tpu.memory_space<hbm>>
      %dma_wait3A_14 = tpu.memref_squeeze %dma_wait3A_13 : memref<1x632x16xf32, #tpu.memory_space<hbm>> -> memref<632x16xf32, #tpu.memory_space<hbm>>
      %dma_wait3A_15 = arith.constant 0 : i32
      %dma_wait3A_16 = tpu.memref_slice %arg8[%mul3A_2, %dma_wait3A_15] : memref<10112x16xf32, #tpu.memory_space<vmem_shared>> -> memref<632x16xf32, #tpu.memory_space<vmem_shared>>
      tpu.wait_dma2 semaphore(%run_scoped3A : memref<!tpu.dma_semaphore, #tpu.memory_space<semaphore_mem>>) src(%dma_wait3A_16 : memref<632x16xf32, #tpu.memory_space<vmem_shared>>) dst(%dma_wait3A_14 : memref<632x16xf32, #tpu.memory_space<hbm>>)
      tpu.yield
    }) : () -> ()
    return
  }
}

#map = affine_map<(d0, d1) -> (0, 0)>
#map1 = affine_map<(d0, d1) -> (0, 0, 0)>
module attributes {stable_mosaic.version = 14 : i64} {
  func.func @_agg_body(%arg0: i32, %arg1: i32, %arg2: memref<10000x64xf32, #tpu.memory_space<hbm>>, %arg3: memref<32x158x128xi32, #tpu.memory_space<hbm>>, %arg4: memref<32x158x128xi32, #tpu.memory_space<hbm>>, %arg5: memref<10112x64xf32, #tpu.memory_space<hbm>>, %arg6: memref<2x10112x64xf32, #tpu.memory_space<hbm>>, %arg7: memref<158x128xi32, #tpu.memory_space<vmem>>, %arg8: memref<158x128xi32, #tpu.memory_space<vmem>>, %arg9: memref<128x64xf32, #tpu.memory_space<vmem>>, %arg10: memref<128x64xf32, #tpu.memory_space<vmem>>, %arg11: memref<10112x64xf32, #tpu.memory_space<vmem_shared>>, %arg12: memref<!tpu.dma_semaphore, #tpu.memory_space<semaphore_mem>>, %arg13: memref<!tpu.dma_semaphore, #tpu.memory_space<semaphore_mem>>) attributes {dimension_semantics = [#tpu.dimension_semantics<core_parallel>, #tpu.dimension_semantics<subcore_parallel>], iteration_bounds = array<i64: 2, 16>, scalar_prefetch = 0 : i64, scratch_operands = 7 : i64, tpu.core_type = #tpu.core_type<sc_vector_subcore>, window_params = [{transform_indices = #map}, {transform_indices = #map1}, {transform_indices = #map1}, {transform_indices = #map}, {transform_indices = #map1}]} {
    %mul3A = arith.constant 2 : i32
    %mul3A_0 = arith.muli %arg1, %mul3A : i32
    %add3A = arith.addi %mul3A_0, %arg0 : i32
    %mul3A_1 = arith.constant 632 : i32
    %mul3A_2 = arith.muli %arg1, %mul3A_1 : i32
    "tpu.region"() ({
      %run_scoped3A = tpu.sem_alloc : memref<!tpu.dma_semaphore, #tpu.memory_space<semaphore_mem>>
      %dma_start3A_15 = arith.constant 0 : i32
      %dma_start3A_16 = arith.constant 0 : i32
      %dma_start3A_17 = tpu.memref_slice %arg3[%add3A, %dma_start3A_15, %dma_start3A_16] : memref<32x158x128xi32, #tpu.memory_space<hbm>> -> memref<1x158x128xi32, #tpu.memory_space<hbm>>
      %dma_start3A_18 = tpu.memref_squeeze %dma_start3A_17 : memref<1x158x128xi32, #tpu.memory_space<hbm>> -> memref<158x128xi32, #tpu.memory_space<hbm>>
      %dma_start3A_19 = arith.constant 0 : i32
      %dma_start3A_20 = arith.constant 0 : i32
      %dma_start3A_21 = tpu.memref_slice %arg3[%add3A, %dma_start3A_19, %dma_start3A_20] : memref<32x158x128xi32, #tpu.memory_space<hbm>> -> memref<1x158x128xi32, #tpu.memory_space<hbm>>
      %dma_start3A_22 = tpu.memref_squeeze %dma_start3A_21 : memref<1x158x128xi32, #tpu.memory_space<hbm>> -> memref<158x128xi32, #tpu.memory_space<hbm>>
      tpu.enqueue_dma source(%dma_start3A_22 : memref<158x128xi32, #tpu.memory_space<hbm>>) target(%arg7 : memref<158x128xi32, #tpu.memory_space<vmem>>) target_semaphore(%run_scoped3A : memref<!tpu.dma_semaphore, #tpu.memory_space<semaphore_mem>>)
      %dma_wait3A = arith.constant 0 : i32
      %dma_wait3A_23 = arith.constant 0 : i32
      %dma_wait3A_24 = tpu.memref_slice %arg3[%add3A, %dma_wait3A, %dma_wait3A_23] : memref<32x158x128xi32, #tpu.memory_space<hbm>> -> memref<1x158x128xi32, #tpu.memory_space<hbm>>
      %dma_wait3A_25 = tpu.memref_squeeze %dma_wait3A_24 : memref<1x158x128xi32, #tpu.memory_space<hbm>> -> memref<158x128xi32, #tpu.memory_space<hbm>>
      %dma_wait3A_26 = arith.constant 0 : i32
      %dma_wait3A_27 = arith.constant 0 : i32
      %dma_wait3A_28 = tpu.memref_slice %arg3[%add3A, %dma_wait3A_26, %dma_wait3A_27] : memref<32x158x128xi32, #tpu.memory_space<hbm>> -> memref<1x158x128xi32, #tpu.memory_space<hbm>>
      %dma_wait3A_29 = tpu.memref_squeeze %dma_wait3A_28 : memref<1x158x128xi32, #tpu.memory_space<hbm>> -> memref<158x128xi32, #tpu.memory_space<hbm>>
      tpu.wait_dma2 semaphore(%run_scoped3A : memref<!tpu.dma_semaphore, #tpu.memory_space<semaphore_mem>>) src(%dma_wait3A_29 : memref<158x128xi32, #tpu.memory_space<hbm>>) dst(%arg7 : memref<158x128xi32, #tpu.memory_space<vmem>>)
      tpu.yield
    }) : () -> ()
    "tpu.region"() ({
      %run_scoped3A = tpu.sem_alloc : memref<!tpu.dma_semaphore, #tpu.memory_space<semaphore_mem>>
      %dma_start3A_15 = arith.constant 0 : i32
      %dma_start3A_16 = arith.constant 0 : i32
      %dma_start3A_17 = tpu.memref_slice %arg4[%add3A, %dma_start3A_15, %dma_start3A_16] : memref<32x158x128xi32, #tpu.memory_space<hbm>> -> memref<1x158x128xi32, #tpu.memory_space<hbm>>
      %dma_start3A_18 = tpu.memref_squeeze %dma_start3A_17 : memref<1x158x128xi32, #tpu.memory_space<hbm>> -> memref<158x128xi32, #tpu.memory_space<hbm>>
      %dma_start3A_19 = arith.constant 0 : i32
      %dma_start3A_20 = arith.constant 0 : i32
      %dma_start3A_21 = tpu.memref_slice %arg4[%add3A, %dma_start3A_19, %dma_start3A_20] : memref<32x158x128xi32, #tpu.memory_space<hbm>> -> memref<1x158x128xi32, #tpu.memory_space<hbm>>
      %dma_start3A_22 = tpu.memref_squeeze %dma_start3A_21 : memref<1x158x128xi32, #tpu.memory_space<hbm>> -> memref<158x128xi32, #tpu.memory_space<hbm>>
      tpu.enqueue_dma source(%dma_start3A_22 : memref<158x128xi32, #tpu.memory_space<hbm>>) target(%arg8 : memref<158x128xi32, #tpu.memory_space<vmem>>) target_semaphore(%run_scoped3A : memref<!tpu.dma_semaphore, #tpu.memory_space<semaphore_mem>>)
      %dma_wait3A = arith.constant 0 : i32
      %dma_wait3A_23 = arith.constant 0 : i32
      %dma_wait3A_24 = tpu.memref_slice %arg4[%add3A, %dma_wait3A, %dma_wait3A_23] : memref<32x158x128xi32, #tpu.memory_space<hbm>> -> memref<1x158x128xi32, #tpu.memory_space<hbm>>
      %dma_wait3A_25 = tpu.memref_squeeze %dma_wait3A_24 : memref<1x158x128xi32, #tpu.memory_space<hbm>> -> memref<158x128xi32, #tpu.memory_space<hbm>>
      %dma_wait3A_26 = arith.constant 0 : i32
      %dma_wait3A_27 = arith.constant 0 : i32
      %dma_wait3A_28 = tpu.memref_slice %arg4[%add3A, %dma_wait3A_26, %dma_wait3A_27] : memref<32x158x128xi32, #tpu.memory_space<hbm>> -> memref<1x158x128xi32, #tpu.memory_space<hbm>>
      %dma_wait3A_29 = tpu.memref_squeeze %dma_wait3A_28 : memref<1x158x128xi32, #tpu.memory_space<hbm>> -> memref<158x128xi32, #tpu.memory_space<hbm>>
      tpu.wait_dma2 semaphore(%run_scoped3A : memref<!tpu.dma_semaphore, #tpu.memory_space<semaphore_mem>>) src(%dma_wait3A_29 : memref<158x128xi32, #tpu.memory_space<hbm>>) dst(%arg8 : memref<158x128xi32, #tpu.memory_space<vmem>>)
      tpu.yield
    }) : () -> ()
    "tpu.region"() ({
      %run_scoped3A = tpu.sem_alloc : memref<!tpu.dma_semaphore, #tpu.memory_space<semaphore_mem>>
      %dma_start3A_15 = arith.constant 0 : i32
      %dma_start3A_16 = tpu.memref_slice %arg11[%mul3A_2, %dma_start3A_15] : memref<10112x64xf32, #tpu.memory_space<vmem_shared>> -> memref<632x64xf32, #tpu.memory_space<vmem_shared>>
      %dma_start3A_17 = arith.constant 0 : i32
      %dma_start3A_18 = tpu.memref_slice %arg5[%mul3A_2, %dma_start3A_17] : memref<10112x64xf32, #tpu.memory_space<hbm>> -> memref<632x64xf32, #tpu.memory_space<hbm>>
      tpu.enqueue_dma source(%dma_start3A_18 : memref<632x64xf32, #tpu.memory_space<hbm>>) target(%dma_start3A_16 : memref<632x64xf32, #tpu.memory_space<vmem_shared>>) target_semaphore(%run_scoped3A : memref<!tpu.dma_semaphore, #tpu.memory_space<semaphore_mem>>)
      %dma_wait3A = arith.constant 0 : i32
      %dma_wait3A_19 = tpu.memref_slice %arg11[%mul3A_2, %dma_wait3A] : memref<10112x64xf32, #tpu.memory_space<vmem_shared>> -> memref<632x64xf32, #tpu.memory_space<vmem_shared>>
      %dma_wait3A_20 = arith.constant 0 : i32
      %dma_wait3A_21 = tpu.memref_slice %arg5[%mul3A_2, %dma_wait3A_20] : memref<10112x64xf32, #tpu.memory_space<hbm>> -> memref<632x64xf32, #tpu.memory_space<hbm>>
      tpu.wait_dma2 semaphore(%run_scoped3A : memref<!tpu.dma_semaphore, #tpu.memory_space<semaphore_mem>>) src(%dma_wait3A_21 : memref<632x64xf32, #tpu.memory_space<hbm>>) dst(%dma_wait3A_19 : memref<632x64xf32, #tpu.memory_space<vmem_shared>>)
      tpu.yield
    }) : () -> ()
    %barrier3A = arith.constant 0 : index
    tpu.barrier barrier_id(%barrier3A)
    %dma_start3A = arith.constant 0 : i32
    %dma_start3A_3 = arith.constant 0 : i32
    %dma_start3A_4 = tpu.memref_slice %arg7[%dma_start3A, %dma_start3A_3] : memref<158x128xi32, #tpu.memory_space<vmem>> -> memref<1x128xi32, #tpu.memory_space<vmem>>
    %dma_start3A_5 = tpu.memref_squeeze %dma_start3A_4 : memref<1x128xi32, #tpu.memory_space<vmem>> -> memref<128xi32, #tpu.memory_space<vmem>>
    %dma_start3A_6 = arith.constant 0 : i32
    %dma_start3A_7 = arith.constant 0 : i32
    %dma_start3A_8 = tpu.memref_slice %arg2[%dma_start3A_6, %dma_start3A_7] : memref<10000x64xf32, #tpu.memory_space<hbm>> -> memref<10000x64xf32, #tpu.memory_space<hbm>>
    tpu.enqueue_indirect_dma source(%dma_start3A_8 : memref<10000x64xf32, #tpu.memory_space<hbm>>) target(%arg9 : memref<128x64xf32, #tpu.memory_space<vmem>>) offsets(%dma_start3A_5 : memref<128xi32, #tpu.memory_space<vmem>>) semaphore(%arg12 : memref<!tpu.dma_semaphore, #tpu.memory_space<semaphore_mem>>)
    %scan3A = arith.constant 0 : i32
    %scan3A_9 = arith.constant 0 : i32
    %scan3A_10 = arith.constant 79 : i32
    %scan3A_11 = arith.addi %scan3A_9, %scan3A_10 : i32
    %scan3A_12 = arith.constant 1 : i32
    scf.for %scan3A_15 = %scan3A_9 to %scan3A_11 step %scan3A_12  : i32 {
      %mul3A_16 = arith.constant 2 : i32
      %mul3A_17 = arith.muli %scan3A_15, %mul3A_16 : i32
      %add3A_18 = arith.constant 1 : i32
      %add3A_19 = arith.addi %mul3A_17, %add3A_18 : i32
      %dma_start3A_20 = arith.constant 0 : i32
      %dma_start3A_21 = tpu.memref_slice %arg7[%add3A_19, %dma_start3A_20] : memref<158x128xi32, #tpu.memory_space<vmem>> -> memref<1x128xi32, #tpu.memory_space<vmem>>
      %dma_start3A_22 = tpu.memref_squeeze %dma_start3A_21 : memref<1x128xi32, #tpu.memory_space<vmem>> -> memref<128xi32, #tpu.memory_space<vmem>>
      %dma_start3A_23 = arith.constant 0 : i32
      %dma_start3A_24 = arith.constant 0 : i32
      %dma_start3A_25 = tpu.memref_slice %arg2[%dma_start3A_23, %dma_start3A_24] : memref<10000x64xf32, #tpu.memory_space<hbm>> -> memref<10000x64xf32, #tpu.memory_space<hbm>>
      tpu.enqueue_indirect_dma source(%dma_start3A_25 : memref<10000x64xf32, #tpu.memory_space<hbm>>) target(%arg10 : memref<128x64xf32, #tpu.memory_space<vmem>>) offsets(%dma_start3A_22 : memref<128xi32, #tpu.memory_space<vmem>>) semaphore(%arg13 : memref<!tpu.dma_semaphore, #tpu.memory_space<semaphore_mem>>)
      %dma_wait3A = arith.constant 0 : i32
      %dma_wait3A_26 = tpu.memref_slice %arg7[%mul3A_17, %dma_wait3A] : memref<158x128xi32, #tpu.memory_space<vmem>> -> memref<1x128xi32, #tpu.memory_space<vmem>>
      %dma_wait3A_27 = tpu.memref_squeeze %dma_wait3A_26 : memref<1x128xi32, #tpu.memory_space<vmem>> -> memref<128xi32, #tpu.memory_space<vmem>>
      %dma_wait3A_28 = arith.constant 0 : i32
      %dma_wait3A_29 = arith.constant 0 : i32
      %dma_wait3A_30 = tpu.memref_slice %arg2[%dma_wait3A_28, %dma_wait3A_29] : memref<10000x64xf32, #tpu.memory_space<hbm>> -> memref<10000x64xf32, #tpu.memory_space<hbm>>
      tpu.wait_indirect_dma semaphore(%arg12 : memref<!tpu.dma_semaphore, #tpu.memory_space<semaphore_mem>>) src(%dma_wait3A_30 : memref<10000x64xf32, #tpu.memory_space<hbm>>) dst(%arg9 : memref<128x64xf32, #tpu.memory_space<vmem>>)
      "tpu.region"() ({
        %run_scoped3A = tpu.sem_alloc : memref<!tpu.dma_semaphore, #tpu.memory_space<semaphore_mem>>
        %dma_start3A_45 = arith.constant 0 : i32
        %dma_start3A_46 = tpu.memref_slice %arg8[%mul3A_17, %dma_start3A_45] : memref<158x128xi32, #tpu.memory_space<vmem>> -> memref<1x128xi32, #tpu.memory_space<vmem>>
        %dma_start3A_47 = tpu.memref_squeeze %dma_start3A_46 : memref<1x128xi32, #tpu.memory_space<vmem>> -> memref<128xi32, #tpu.memory_space<vmem>>
        %dma_start3A_48 = arith.constant 0 : i32
        %dma_start3A_49 = arith.constant 0 : i32
        %dma_start3A_50 = tpu.memref_slice %arg11[%dma_start3A_48, %dma_start3A_49] : memref<10112x64xf32, #tpu.memory_space<vmem_shared>> -> memref<10112x64xf32, #tpu.memory_space<vmem_shared>>
        tpu.enqueue_indirect_dma source(%arg9 : memref<128x64xf32, #tpu.memory_space<vmem>>) target(%dma_start3A_50 : memref<10112x64xf32, #tpu.memory_space<vmem_shared>>) offsets(%dma_start3A_47 : memref<128xi32, #tpu.memory_space<vmem>>) semaphore(%run_scoped3A : memref<!tpu.dma_semaphore, #tpu.memory_space<semaphore_mem>>) {add = true}
        %dma_wait3A_51 = arith.constant 0 : i32
        %dma_wait3A_52 = tpu.memref_slice %arg8[%mul3A_17, %dma_wait3A_51] : memref<158x128xi32, #tpu.memory_space<vmem>> -> memref<1x128xi32, #tpu.memory_space<vmem>>
        %dma_wait3A_53 = tpu.memref_squeeze %dma_wait3A_52 : memref<1x128xi32, #tpu.memory_space<vmem>> -> memref<128xi32, #tpu.memory_space<vmem>>
        %dma_wait3A_54 = arith.constant 0 : i32
        %dma_wait3A_55 = arith.constant 0 : i32
        %dma_wait3A_56 = tpu.memref_slice %arg11[%dma_wait3A_54, %dma_wait3A_55] : memref<10112x64xf32, #tpu.memory_space<vmem_shared>> -> memref<10112x64xf32, #tpu.memory_space<vmem_shared>>
        tpu.wait_indirect_dma semaphore(%run_scoped3A : memref<!tpu.dma_semaphore, #tpu.memory_space<semaphore_mem>>) src(%arg9 : memref<128x64xf32, #tpu.memory_space<vmem>>) dst(%dma_wait3A_56 : memref<10112x64xf32, #tpu.memory_space<vmem_shared>>)
        tpu.yield
      }) : () -> ()
      %add3A_31 = arith.constant 2 : i32
      %add3A_32 = arith.addi %mul3A_17, %add3A_31 : i32
      %lt3A = arith.constant 158 : i32
      %lt3A_33 = arith.cmpi slt, %add3A_32, %lt3A : i32
      %convert_element_type3A = arith.extui %lt3A_33 : i1 to i32
      %cond3A = arith.constant 0 : i32
      %cond3A_34 = arith.cmpi ne, %convert_element_type3A, %cond3A : i32
      scf.if %cond3A_34 {
        %add3A_45 = arith.constant 2 : i32
        %add3A_46 = arith.addi %mul3A_17, %add3A_45 : i32
        %dma_start3A_47 = arith.constant 0 : i32
        %dma_start3A_48 = tpu.memref_slice %arg7[%add3A_46, %dma_start3A_47] : memref<158x128xi32, #tpu.memory_space<vmem>> -> memref<1x128xi32, #tpu.memory_space<vmem>>
        %dma_start3A_49 = tpu.memref_squeeze %dma_start3A_48 : memref<1x128xi32, #tpu.memory_space<vmem>> -> memref<128xi32, #tpu.memory_space<vmem>>
        %dma_start3A_50 = arith.constant 0 : i32
        %dma_start3A_51 = arith.constant 0 : i32
        %dma_start3A_52 = tpu.memref_slice %arg2[%dma_start3A_50, %dma_start3A_51] : memref<10000x64xf32, #tpu.memory_space<hbm>> -> memref<10000x64xf32, #tpu.memory_space<hbm>>
        tpu.enqueue_indirect_dma source(%dma_start3A_52 : memref<10000x64xf32, #tpu.memory_space<hbm>>) target(%arg9 : memref<128x64xf32, #tpu.memory_space<vmem>>) offsets(%dma_start3A_49 : memref<128xi32, #tpu.memory_space<vmem>>) semaphore(%arg12 : memref<!tpu.dma_semaphore, #tpu.memory_space<semaphore_mem>>)
      } else {
      }
      %add3A_35 = arith.constant 1 : i32
      %add3A_36 = arith.addi %mul3A_17, %add3A_35 : i32
      %dma_wait3A_37 = arith.constant 0 : i32
      %dma_wait3A_38 = tpu.memref_slice %arg7[%add3A_36, %dma_wait3A_37] : memref<158x128xi32, #tpu.memory_space<vmem>> -> memref<1x128xi32, #tpu.memory_space<vmem>>
      %dma_wait3A_39 = tpu.memref_squeeze %dma_wait3A_38 : memref<1x128xi32, #tpu.memory_space<vmem>> -> memref<128xi32, #tpu.memory_space<vmem>>
      %dma_wait3A_40 = arith.constant 0 : i32
      %dma_wait3A_41 = arith.constant 0 : i32
      %dma_wait3A_42 = tpu.memref_slice %arg2[%dma_wait3A_40, %dma_wait3A_41] : memref<10000x64xf32, #tpu.memory_space<hbm>> -> memref<10000x64xf32, #tpu.memory_space<hbm>>
      tpu.wait_indirect_dma semaphore(%arg13 : memref<!tpu.dma_semaphore, #tpu.memory_space<semaphore_mem>>) src(%dma_wait3A_42 : memref<10000x64xf32, #tpu.memory_space<hbm>>) dst(%arg10 : memref<128x64xf32, #tpu.memory_space<vmem>>)
      %add3A_43 = arith.constant 1 : i32
      %add3A_44 = arith.addi %mul3A_17, %add3A_43 : i32
      "tpu.region"() ({
        %run_scoped3A = tpu.sem_alloc : memref<!tpu.dma_semaphore, #tpu.memory_space<semaphore_mem>>
        %dma_start3A_45 = arith.constant 0 : i32
        %dma_start3A_46 = tpu.memref_slice %arg8[%add3A_44, %dma_start3A_45] : memref<158x128xi32, #tpu.memory_space<vmem>> -> memref<1x128xi32, #tpu.memory_space<vmem>>
        %dma_start3A_47 = tpu.memref_squeeze %dma_start3A_46 : memref<1x128xi32, #tpu.memory_space<vmem>> -> memref<128xi32, #tpu.memory_space<vmem>>
        %dma_start3A_48 = arith.constant 0 : i32
        %dma_start3A_49 = arith.constant 0 : i32
        %dma_start3A_50 = tpu.memref_slice %arg11[%dma_start3A_48, %dma_start3A_49] : memref<10112x64xf32, #tpu.memory_space<vmem_shared>> -> memref<10112x64xf32, #tpu.memory_space<vmem_shared>>
        tpu.enqueue_indirect_dma source(%arg10 : memref<128x64xf32, #tpu.memory_space<vmem>>) target(%dma_start3A_50 : memref<10112x64xf32, #tpu.memory_space<vmem_shared>>) offsets(%dma_start3A_47 : memref<128xi32, #tpu.memory_space<vmem>>) semaphore(%run_scoped3A : memref<!tpu.dma_semaphore, #tpu.memory_space<semaphore_mem>>) {add = true}
        %dma_wait3A_51 = arith.constant 0 : i32
        %dma_wait3A_52 = tpu.memref_slice %arg8[%add3A_44, %dma_wait3A_51] : memref<158x128xi32, #tpu.memory_space<vmem>> -> memref<1x128xi32, #tpu.memory_space<vmem>>
        %dma_wait3A_53 = tpu.memref_squeeze %dma_wait3A_52 : memref<1x128xi32, #tpu.memory_space<vmem>> -> memref<128xi32, #tpu.memory_space<vmem>>
        %dma_wait3A_54 = arith.constant 0 : i32
        %dma_wait3A_55 = arith.constant 0 : i32
        %dma_wait3A_56 = tpu.memref_slice %arg11[%dma_wait3A_54, %dma_wait3A_55] : memref<10112x64xf32, #tpu.memory_space<vmem_shared>> -> memref<10112x64xf32, #tpu.memory_space<vmem_shared>>
        tpu.wait_indirect_dma semaphore(%run_scoped3A : memref<!tpu.dma_semaphore, #tpu.memory_space<semaphore_mem>>) src(%arg10 : memref<128x64xf32, #tpu.memory_space<vmem>>) dst(%dma_wait3A_56 : memref<10112x64xf32, #tpu.memory_space<vmem_shared>>)
        tpu.yield
      }) : () -> ()
    }
    %scan3A_13 = arith.constant 79 : i32
    %barrier3A_14 = arith.constant 0 : index
    tpu.barrier barrier_id(%barrier3A_14)
    "tpu.region"() ({
      %run_scoped3A = tpu.sem_alloc : memref<!tpu.dma_semaphore, #tpu.memory_space<semaphore_mem>>
      %dma_start3A_15 = arith.constant 0 : i32
      %dma_start3A_16 = tpu.memref_slice %arg6[%arg0, %mul3A_2, %dma_start3A_15] : memref<2x10112x64xf32, #tpu.memory_space<hbm>> -> memref<1x632x64xf32, #tpu.memory_space<hbm>>
      %dma_start3A_17 = tpu.memref_squeeze %dma_start3A_16 : memref<1x632x64xf32, #tpu.memory_space<hbm>> -> memref<632x64xf32, #tpu.memory_space<hbm>>
      %dma_start3A_18 = arith.constant 0 : i32
      %dma_start3A_19 = tpu.memref_slice %arg11[%mul3A_2, %dma_start3A_18] : memref<10112x64xf32, #tpu.memory_space<vmem_shared>> -> memref<632x64xf32, #tpu.memory_space<vmem_shared>>
      tpu.enqueue_dma source(%dma_start3A_19 : memref<632x64xf32, #tpu.memory_space<vmem_shared>>) target(%dma_start3A_17 : memref<632x64xf32, #tpu.memory_space<hbm>>) target_semaphore(%run_scoped3A : memref<!tpu.dma_semaphore, #tpu.memory_space<semaphore_mem>>)
      %dma_wait3A = arith.constant 0 : i32
      %dma_wait3A_20 = tpu.memref_slice %arg6[%arg0, %mul3A_2, %dma_wait3A] : memref<2x10112x64xf32, #tpu.memory_space<hbm>> -> memref<1x632x64xf32, #tpu.memory_space<hbm>>
      %dma_wait3A_21 = tpu.memref_squeeze %dma_wait3A_20 : memref<1x632x64xf32, #tpu.memory_space<hbm>> -> memref<632x64xf32, #tpu.memory_space<hbm>>
      %dma_wait3A_22 = arith.constant 0 : i32
      %dma_wait3A_23 = tpu.memref_slice %arg11[%mul3A_2, %dma_wait3A_22] : memref<10112x64xf32, #tpu.memory_space<vmem_shared>> -> memref<632x64xf32, #tpu.memory_space<vmem_shared>>
      tpu.wait_dma2 semaphore(%run_scoped3A : memref<!tpu.dma_semaphore, #tpu.memory_space<semaphore_mem>>) src(%dma_wait3A_23 : memref<632x64xf32, #tpu.memory_space<vmem_shared>>) dst(%dma_wait3A_21 : memref<632x64xf32, #tpu.memory_space<hbm>>)
      tpu.yield
    }) : () -> ()
    return
  }
}

#map = affine_map<(d0, d1) -> (0, 0)>
#map1 = affine_map<(d0, d1) -> (0, 0, 0)>
module attributes {stable_mosaic.version = 14 : i64} {
  func.func @_agg_body(%arg0: i32, %arg1: i32, %arg2: memref<10000x64xf32, #tpu.memory_space<hbm>>, %arg3: memref<32x158x128xi32, #tpu.memory_space<hbm>>, %arg4: memref<32x158x128xi32, #tpu.memory_space<hbm>>, %arg5: memref<10112x64xf32, #tpu.memory_space<hbm>>, %arg6: memref<2x10112x64xf32, #tpu.memory_space<hbm>>, %arg7: memref<158x128xi32, #tpu.memory_space<vmem>>, %arg8: memref<158x128xi32, #tpu.memory_space<vmem>>, %arg9: memref<128x64xf32, #tpu.memory_space<vmem>>, %arg10: memref<128x64xf32, #tpu.memory_space<vmem>>, %arg11: memref<10112x64xf32, #tpu.memory_space<vmem_shared>>, %arg12: memref<!tpu.dma_semaphore, #tpu.memory_space<semaphore_mem>>, %arg13: memref<!tpu.dma_semaphore, #tpu.memory_space<semaphore_mem>>) attributes {dimension_semantics = [#tpu.dimension_semantics<core_parallel>, #tpu.dimension_semantics<subcore_parallel>], iteration_bounds = array<i64: 2, 16>, scalar_prefetch = 0 : i64, scratch_operands = 7 : i64, tpu.core_type = #tpu.core_type<sc_vector_subcore>, window_params = [{transform_indices = #map}, {transform_indices = #map1}, {transform_indices = #map1}, {transform_indices = #map}, {transform_indices = #map1}]} {
    %mul3A = arith.constant 2 : i32
    %mul3A_0 = arith.muli %arg1, %mul3A : i32
    %add3A = arith.addi %mul3A_0, %arg0 : i32
    %mul3A_1 = arith.constant 632 : i32
    %mul3A_2 = arith.muli %arg1, %mul3A_1 : i32
    "tpu.region"() ({
      %run_scoped3A = tpu.sem_alloc : memref<!tpu.dma_semaphore, #tpu.memory_space<semaphore_mem>>
      %dma_start3A_15 = arith.constant 0 : i32
      %dma_start3A_16 = arith.constant 0 : i32
      %dma_start3A_17 = tpu.memref_slice %arg3[%add3A, %dma_start3A_15, %dma_start3A_16] : memref<32x158x128xi32, #tpu.memory_space<hbm>> -> memref<1x158x128xi32, #tpu.memory_space<hbm>>
      %dma_start3A_18 = tpu.memref_squeeze %dma_start3A_17 : memref<1x158x128xi32, #tpu.memory_space<hbm>> -> memref<158x128xi32, #tpu.memory_space<hbm>>
      %dma_start3A_19 = arith.constant 0 : i32
      %dma_start3A_20 = arith.constant 0 : i32
      %dma_start3A_21 = tpu.memref_slice %arg3[%add3A, %dma_start3A_19, %dma_start3A_20] : memref<32x158x128xi32, #tpu.memory_space<hbm>> -> memref<1x158x128xi32, #tpu.memory_space<hbm>>
      %dma_start3A_22 = tpu.memref_squeeze %dma_start3A_21 : memref<1x158x128xi32, #tpu.memory_space<hbm>> -> memref<158x128xi32, #tpu.memory_space<hbm>>
      tpu.enqueue_dma source(%dma_start3A_22 : memref<158x128xi32, #tpu.memory_space<hbm>>) target(%arg7 : memref<158x128xi32, #tpu.memory_space<vmem>>) target_semaphore(%run_scoped3A : memref<!tpu.dma_semaphore, #tpu.memory_space<semaphore_mem>>)
      %dma_wait3A = arith.constant 0 : i32
      %dma_wait3A_23 = arith.constant 0 : i32
      %dma_wait3A_24 = tpu.memref_slice %arg3[%add3A, %dma_wait3A, %dma_wait3A_23] : memref<32x158x128xi32, #tpu.memory_space<hbm>> -> memref<1x158x128xi32, #tpu.memory_space<hbm>>
      %dma_wait3A_25 = tpu.memref_squeeze %dma_wait3A_24 : memref<1x158x128xi32, #tpu.memory_space<hbm>> -> memref<158x128xi32, #tpu.memory_space<hbm>>
      %dma_wait3A_26 = arith.constant 0 : i32
      %dma_wait3A_27 = arith.constant 0 : i32
      %dma_wait3A_28 = tpu.memref_slice %arg3[%add3A, %dma_wait3A_26, %dma_wait3A_27] : memref<32x158x128xi32, #tpu.memory_space<hbm>> -> memref<1x158x128xi32, #tpu.memory_space<hbm>>
      %dma_wait3A_29 = tpu.memref_squeeze %dma_wait3A_28 : memref<1x158x128xi32, #tpu.memory_space<hbm>> -> memref<158x128xi32, #tpu.memory_space<hbm>>
      tpu.wait_dma2 semaphore(%run_scoped3A : memref<!tpu.dma_semaphore, #tpu.memory_space<semaphore_mem>>) src(%dma_wait3A_29 : memref<158x128xi32, #tpu.memory_space<hbm>>) dst(%arg7 : memref<158x128xi32, #tpu.memory_space<vmem>>)
      tpu.yield
    }) : () -> ()
    "tpu.region"() ({
      %run_scoped3A = tpu.sem_alloc : memref<!tpu.dma_semaphore, #tpu.memory_space<semaphore_mem>>
      %dma_start3A_15 = arith.constant 0 : i32
      %dma_start3A_16 = arith.constant 0 : i32
      %dma_start3A_17 = tpu.memref_slice %arg4[%add3A, %dma_start3A_15, %dma_start3A_16] : memref<32x158x128xi32, #tpu.memory_space<hbm>> -> memref<1x158x128xi32, #tpu.memory_space<hbm>>
      %dma_start3A_18 = tpu.memref_squeeze %dma_start3A_17 : memref<1x158x128xi32, #tpu.memory_space<hbm>> -> memref<158x128xi32, #tpu.memory_space<hbm>>
      %dma_start3A_19 = arith.constant 0 : i32
      %dma_start3A_20 = arith.constant 0 : i32
      %dma_start3A_21 = tpu.memref_slice %arg4[%add3A, %dma_start3A_19, %dma_start3A_20] : memref<32x158x128xi32, #tpu.memory_space<hbm>> -> memref<1x158x128xi32, #tpu.memory_space<hbm>>
      %dma_start3A_22 = tpu.memref_squeeze %dma_start3A_21 : memref<1x158x128xi32, #tpu.memory_space<hbm>> -> memref<158x128xi32, #tpu.memory_space<hbm>>
      tpu.enqueue_dma source(%dma_start3A_22 : memref<158x128xi32, #tpu.memory_space<hbm>>) target(%arg8 : memref<158x128xi32, #tpu.memory_space<vmem>>) target_semaphore(%run_scoped3A : memref<!tpu.dma_semaphore, #tpu.memory_space<semaphore_mem>>)
      %dma_wait3A = arith.constant 0 : i32
      %dma_wait3A_23 = arith.constant 0 : i32
      %dma_wait3A_24 = tpu.memref_slice %arg4[%add3A, %dma_wait3A, %dma_wait3A_23] : memref<32x158x128xi32, #tpu.memory_space<hbm>> -> memref<1x158x128xi32, #tpu.memory_space<hbm>>
      %dma_wait3A_25 = tpu.memref_squeeze %dma_wait3A_24 : memref<1x158x128xi32, #tpu.memory_space<hbm>> -> memref<158x128xi32, #tpu.memory_space<hbm>>
      %dma_wait3A_26 = arith.constant 0 : i32
      %dma_wait3A_27 = arith.constant 0 : i32
      %dma_wait3A_28 = tpu.memref_slice %arg4[%add3A, %dma_wait3A_26, %dma_wait3A_27] : memref<32x158x128xi32, #tpu.memory_space<hbm>> -> memref<1x158x128xi32, #tpu.memory_space<hbm>>
      %dma_wait3A_29 = tpu.memref_squeeze %dma_wait3A_28 : memref<1x158x128xi32, #tpu.memory_space<hbm>> -> memref<158x128xi32, #tpu.memory_space<hbm>>
      tpu.wait_dma2 semaphore(%run_scoped3A : memref<!tpu.dma_semaphore, #tpu.memory_space<semaphore_mem>>) src(%dma_wait3A_29 : memref<158x128xi32, #tpu.memory_space<hbm>>) dst(%arg8 : memref<158x128xi32, #tpu.memory_space<vmem>>)
      tpu.yield
    }) : () -> ()
    "tpu.region"() ({
      %run_scoped3A = tpu.sem_alloc : memref<!tpu.dma_semaphore, #tpu.memory_space<semaphore_mem>>
      %dma_start3A_15 = arith.constant 0 : i32
      %dma_start3A_16 = tpu.memref_slice %arg11[%mul3A_2, %dma_start3A_15] : memref<10112x64xf32, #tpu.memory_space<vmem_shared>> -> memref<632x64xf32, #tpu.memory_space<vmem_shared>>
      %dma_start3A_17 = arith.constant 0 : i32
      %dma_start3A_18 = tpu.memref_slice %arg5[%mul3A_2, %dma_start3A_17] : memref<10112x64xf32, #tpu.memory_space<hbm>> -> memref<632x64xf32, #tpu.memory_space<hbm>>
      tpu.enqueue_dma source(%dma_start3A_18 : memref<632x64xf32, #tpu.memory_space<hbm>>) target(%dma_start3A_16 : memref<632x64xf32, #tpu.memory_space<vmem_shared>>) target_semaphore(%run_scoped3A : memref<!tpu.dma_semaphore, #tpu.memory_space<semaphore_mem>>)
      %dma_wait3A = arith.constant 0 : i32
      %dma_wait3A_19 = tpu.memref_slice %arg11[%mul3A_2, %dma_wait3A] : memref<10112x64xf32, #tpu.memory_space<vmem_shared>> -> memref<632x64xf32, #tpu.memory_space<vmem_shared>>
      %dma_wait3A_20 = arith.constant 0 : i32
      %dma_wait3A_21 = tpu.memref_slice %arg5[%mul3A_2, %dma_wait3A_20] : memref<10112x64xf32, #tpu.memory_space<hbm>> -> memref<632x64xf32, #tpu.memory_space<hbm>>
      tpu.wait_dma2 semaphore(%run_scoped3A : memref<!tpu.dma_semaphore, #tpu.memory_space<semaphore_mem>>) src(%dma_wait3A_21 : memref<632x64xf32, #tpu.memory_space<hbm>>) dst(%dma_wait3A_19 : memref<632x64xf32, #tpu.memory_space<vmem_shared>>)
      tpu.yield
    }) : () -> ()
    %barrier3A = arith.constant 0 : index
    tpu.barrier barrier_id(%barrier3A)
    %dma_start3A = arith.constant 0 : i32
    %dma_start3A_3 = arith.constant 0 : i32
    %dma_start3A_4 = tpu.memref_slice %arg7[%dma_start3A, %dma_start3A_3] : memref<158x128xi32, #tpu.memory_space<vmem>> -> memref<1x128xi32, #tpu.memory_space<vmem>>
    %dma_start3A_5 = tpu.memref_squeeze %dma_start3A_4 : memref<1x128xi32, #tpu.memory_space<vmem>> -> memref<128xi32, #tpu.memory_space<vmem>>
    %dma_start3A_6 = arith.constant 0 : i32
    %dma_start3A_7 = arith.constant 0 : i32
    %dma_start3A_8 = tpu.memref_slice %arg2[%dma_start3A_6, %dma_start3A_7] : memref<10000x64xf32, #tpu.memory_space<hbm>> -> memref<10000x64xf32, #tpu.memory_space<hbm>>
    tpu.enqueue_indirect_dma source(%dma_start3A_8 : memref<10000x64xf32, #tpu.memory_space<hbm>>) target(%arg9 : memref<128x64xf32, #tpu.memory_space<vmem>>) offsets(%dma_start3A_5 : memref<128xi32, #tpu.memory_space<vmem>>) semaphore(%arg12 : memref<!tpu.dma_semaphore, #tpu.memory_space<semaphore_mem>>)
    %scan3A = arith.constant 0 : i32
    %scan3A_9 = arith.constant 0 : i32
    %scan3A_10 = arith.constant 79 : i32
    %scan3A_11 = arith.addi %scan3A_9, %scan3A_10 : i32
    %scan3A_12 = arith.constant 1 : i32
    scf.for %scan3A_15 = %scan3A_9 to %scan3A_11 step %scan3A_12  : i32 {
      %mul3A_16 = arith.constant 2 : i32
      %mul3A_17 = arith.muli %scan3A_15, %mul3A_16 : i32
      %add3A_18 = arith.constant 1 : i32
      %add3A_19 = arith.addi %mul3A_17, %add3A_18 : i32
      %dma_start3A_20 = arith.constant 0 : i32
      %dma_start3A_21 = tpu.memref_slice %arg7[%add3A_19, %dma_start3A_20] : memref<158x128xi32, #tpu.memory_space<vmem>> -> memref<1x128xi32, #tpu.memory_space<vmem>>
      %dma_start3A_22 = tpu.memref_squeeze %dma_start3A_21 : memref<1x128xi32, #tpu.memory_space<vmem>> -> memref<128xi32, #tpu.memory_space<vmem>>
      %dma_start3A_23 = arith.constant 0 : i32
      %dma_start3A_24 = arith.constant 0 : i32
      %dma_start3A_25 = tpu.memref_slice %arg2[%dma_start3A_23, %dma_start3A_24] : memref<10000x64xf32, #tpu.memory_space<hbm>> -> memref<10000x64xf32, #tpu.memory_space<hbm>>
      tpu.enqueue_indirect_dma source(%dma_start3A_25 : memref<10000x64xf32, #tpu.memory_space<hbm>>) target(%arg10 : memref<128x64xf32, #tpu.memory_space<vmem>>) offsets(%dma_start3A_22 : memref<128xi32, #tpu.memory_space<vmem>>) semaphore(%arg13 : memref<!tpu.dma_semaphore, #tpu.memory_space<semaphore_mem>>)
      %dma_wait3A = arith.constant 0 : i32
      %dma_wait3A_26 = tpu.memref_slice %arg7[%mul3A_17, %dma_wait3A] : memref<158x128xi32, #tpu.memory_space<vmem>> -> memref<1x128xi32, #tpu.memory_space<vmem>>
      %dma_wait3A_27 = tpu.memref_squeeze %dma_wait3A_26 : memref<1x128xi32, #tpu.memory_space<vmem>> -> memref<128xi32, #tpu.memory_space<vmem>>
      %dma_wait3A_28 = arith.constant 0 : i32
      %dma_wait3A_29 = arith.constant 0 : i32
      %dma_wait3A_30 = tpu.memref_slice %arg2[%dma_wait3A_28, %dma_wait3A_29] : memref<10000x64xf32, #tpu.memory_space<hbm>> -> memref<10000x64xf32, #tpu.memory_space<hbm>>
      tpu.wait_indirect_dma semaphore(%arg12 : memref<!tpu.dma_semaphore, #tpu.memory_space<semaphore_mem>>) src(%dma_wait3A_30 : memref<10000x64xf32, #tpu.memory_space<hbm>>) dst(%arg9 : memref<128x64xf32, #tpu.memory_space<vmem>>)
      "tpu.region"() ({
        %run_scoped3A = tpu.sem_alloc : memref<!tpu.dma_semaphore, #tpu.memory_space<semaphore_mem>>
        %dma_start3A_45 = arith.constant 0 : i32
        %dma_start3A_46 = tpu.memref_slice %arg8[%mul3A_17, %dma_start3A_45] : memref<158x128xi32, #tpu.memory_space<vmem>> -> memref<1x128xi32, #tpu.memory_space<vmem>>
        %dma_start3A_47 = tpu.memref_squeeze %dma_start3A_46 : memref<1x128xi32, #tpu.memory_space<vmem>> -> memref<128xi32, #tpu.memory_space<vmem>>
        %dma_start3A_48 = arith.constant 0 : i32
        %dma_start3A_49 = arith.constant 0 : i32
        %dma_start3A_50 = tpu.memref_slice %arg11[%dma_start3A_48, %dma_start3A_49] : memref<10112x64xf32, #tpu.memory_space<vmem_shared>> -> memref<10112x64xf32, #tpu.memory_space<vmem_shared>>
        tpu.enqueue_indirect_dma source(%arg9 : memref<128x64xf32, #tpu.memory_space<vmem>>) target(%dma_start3A_50 : memref<10112x64xf32, #tpu.memory_space<vmem_shared>>) offsets(%dma_start3A_47 : memref<128xi32, #tpu.memory_space<vmem>>) semaphore(%run_scoped3A : memref<!tpu.dma_semaphore, #tpu.memory_space<semaphore_mem>>) {add = true}
        %dma_wait3A_51 = arith.constant 0 : i32
        %dma_wait3A_52 = tpu.memref_slice %arg8[%mul3A_17, %dma_wait3A_51] : memref<158x128xi32, #tpu.memory_space<vmem>> -> memref<1x128xi32, #tpu.memory_space<vmem>>
        %dma_wait3A_53 = tpu.memref_squeeze %dma_wait3A_52 : memref<1x128xi32, #tpu.memory_space<vmem>> -> memref<128xi32, #tpu.memory_space<vmem>>
        %dma_wait3A_54 = arith.constant 0 : i32
        %dma_wait3A_55 = arith.constant 0 : i32
        %dma_wait3A_56 = tpu.memref_slice %arg11[%dma_wait3A_54, %dma_wait3A_55] : memref<10112x64xf32, #tpu.memory_space<vmem_shared>> -> memref<10112x64xf32, #tpu.memory_space<vmem_shared>>
        tpu.wait_indirect_dma semaphore(%run_scoped3A : memref<!tpu.dma_semaphore, #tpu.memory_space<semaphore_mem>>) src(%arg9 : memref<128x64xf32, #tpu.memory_space<vmem>>) dst(%dma_wait3A_56 : memref<10112x64xf32, #tpu.memory_space<vmem_shared>>)
        tpu.yield
      }) : () -> ()
      %add3A_31 = arith.constant 2 : i32
      %add3A_32 = arith.addi %mul3A_17, %add3A_31 : i32
      %lt3A = arith.constant 158 : i32
      %lt3A_33 = arith.cmpi slt, %add3A_32, %lt3A : i32
      %convert_element_type3A = arith.extui %lt3A_33 : i1 to i32
      %cond3A = arith.constant 0 : i32
      %cond3A_34 = arith.cmpi ne, %convert_element_type3A, %cond3A : i32
      scf.if %cond3A_34 {
        %add3A_45 = arith.constant 2 : i32
        %add3A_46 = arith.addi %mul3A_17, %add3A_45 : i32
        %dma_start3A_47 = arith.constant 0 : i32
        %dma_start3A_48 = tpu.memref_slice %arg7[%add3A_46, %dma_start3A_47] : memref<158x128xi32, #tpu.memory_space<vmem>> -> memref<1x128xi32, #tpu.memory_space<vmem>>
        %dma_start3A_49 = tpu.memref_squeeze %dma_start3A_48 : memref<1x128xi32, #tpu.memory_space<vmem>> -> memref<128xi32, #tpu.memory_space<vmem>>
        %dma_start3A_50 = arith.constant 0 : i32
        %dma_start3A_51 = arith.constant 0 : i32
        %dma_start3A_52 = tpu.memref_slice %arg2[%dma_start3A_50, %dma_start3A_51] : memref<10000x64xf32, #tpu.memory_space<hbm>> -> memref<10000x64xf32, #tpu.memory_space<hbm>>
        tpu.enqueue_indirect_dma source(%dma_start3A_52 : memref<10000x64xf32, #tpu.memory_space<hbm>>) target(%arg9 : memref<128x64xf32, #tpu.memory_space<vmem>>) offsets(%dma_start3A_49 : memref<128xi32, #tpu.memory_space<vmem>>) semaphore(%arg12 : memref<!tpu.dma_semaphore, #tpu.memory_space<semaphore_mem>>)
      } else {
      }
      %add3A_35 = arith.constant 1 : i32
      %add3A_36 = arith.addi %mul3A_17, %add3A_35 : i32
      %dma_wait3A_37 = arith.constant 0 : i32
      %dma_wait3A_38 = tpu.memref_slice %arg7[%add3A_36, %dma_wait3A_37] : memref<158x128xi32, #tpu.memory_space<vmem>> -> memref<1x128xi32, #tpu.memory_space<vmem>>
      %dma_wait3A_39 = tpu.memref_squeeze %dma_wait3A_38 : memref<1x128xi32, #tpu.memory_space<vmem>> -> memref<128xi32, #tpu.memory_space<vmem>>
      %dma_wait3A_40 = arith.constant 0 : i32
      %dma_wait3A_41 = arith.constant 0 : i32
      %dma_wait3A_42 = tpu.memref_slice %arg2[%dma_wait3A_40, %dma_wait3A_41] : memref<10000x64xf32, #tpu.memory_space<hbm>> -> memref<10000x64xf32, #tpu.memory_space<hbm>>
      tpu.wait_indirect_dma semaphore(%arg13 : memref<!tpu.dma_semaphore, #tpu.memory_space<semaphore_mem>>) src(%dma_wait3A_42 : memref<10000x64xf32, #tpu.memory_space<hbm>>) dst(%arg10 : memref<128x64xf32, #tpu.memory_space<vmem>>)
      %add3A_43 = arith.constant 1 : i32
      %add3A_44 = arith.addi %mul3A_17, %add3A_43 : i32
      "tpu.region"() ({
        %run_scoped3A = tpu.sem_alloc : memref<!tpu.dma_semaphore, #tpu.memory_space<semaphore_mem>>
        %dma_start3A_45 = arith.constant 0 : i32
        %dma_start3A_46 = tpu.memref_slice %arg8[%add3A_44, %dma_start3A_45] : memref<158x128xi32, #tpu.memory_space<vmem>> -> memref<1x128xi32, #tpu.memory_space<vmem>>
        %dma_start3A_47 = tpu.memref_squeeze %dma_start3A_46 : memref<1x128xi32, #tpu.memory_space<vmem>> -> memref<128xi32, #tpu.memory_space<vmem>>
        %dma_start3A_48 = arith.constant 0 : i32
        %dma_start3A_49 = arith.constant 0 : i32
        %dma_start3A_50 = tpu.memref_slice %arg11[%dma_start3A_48, %dma_start3A_49] : memref<10112x64xf32, #tpu.memory_space<vmem_shared>> -> memref<10112x64xf32, #tpu.memory_space<vmem_shared>>
        tpu.enqueue_indirect_dma source(%arg10 : memref<128x64xf32, #tpu.memory_space<vmem>>) target(%dma_start3A_50 : memref<10112x64xf32, #tpu.memory_space<vmem_shared>>) offsets(%dma_start3A_47 : memref<128xi32, #tpu.memory_space<vmem>>) semaphore(%run_scoped3A : memref<!tpu.dma_semaphore, #tpu.memory_space<semaphore_mem>>) {add = true}
        %dma_wait3A_51 = arith.constant 0 : i32
        %dma_wait3A_52 = tpu.memref_slice %arg8[%add3A_44, %dma_wait3A_51] : memref<158x128xi32, #tpu.memory_space<vmem>> -> memref<1x128xi32, #tpu.memory_space<vmem>>
        %dma_wait3A_53 = tpu.memref_squeeze %dma_wait3A_52 : memref<1x128xi32, #tpu.memory_space<vmem>> -> memref<128xi32, #tpu.memory_space<vmem>>
        %dma_wait3A_54 = arith.constant 0 : i32
        %dma_wait3A_55 = arith.constant 0 : i32
        %dma_wait3A_56 = tpu.memref_slice %arg11[%dma_wait3A_54, %dma_wait3A_55] : memref<10112x64xf32, #tpu.memory_space<vmem_shared>> -> memref<10112x64xf32, #tpu.memory_space<vmem_shared>>
        tpu.wait_indirect_dma semaphore(%run_scoped3A : memref<!tpu.dma_semaphore, #tpu.memory_space<semaphore_mem>>) src(%arg10 : memref<128x64xf32, #tpu.memory_space<vmem>>) dst(%dma_wait3A_56 : memref<10112x64xf32, #tpu.memory_space<vmem_shared>>)
        tpu.yield
      }) : () -> ()
    }
    %scan3A_13 = arith.constant 79 : i32
    %barrier3A_14 = arith.constant 0 : index
    tpu.barrier barrier_id(%barrier3A_14)
    "tpu.region"() ({
      %run_scoped3A = tpu.sem_alloc : memref<!tpu.dma_semaphore, #tpu.memory_space<semaphore_mem>>
      %dma_start3A_15 = arith.constant 0 : i32
      %dma_start3A_16 = tpu.memref_slice %arg6[%arg0, %mul3A_2, %dma_start3A_15] : memref<2x10112x64xf32, #tpu.memory_space<hbm>> -> memref<1x632x64xf32, #tpu.memory_space<hbm>>
      %dma_start3A_17 = tpu.memref_squeeze %dma_start3A_16 : memref<1x632x64xf32, #tpu.memory_space<hbm>> -> memref<632x64xf32, #tpu.memory_space<hbm>>
      %dma_start3A_18 = arith.constant 0 : i32
      %dma_start3A_19 = tpu.memref_slice %arg11[%mul3A_2, %dma_start3A_18] : memref<10112x64xf32, #tpu.memory_space<vmem_shared>> -> memref<632x64xf32, #tpu.memory_space<vmem_shared>>
      tpu.enqueue_dma source(%dma_start3A_19 : memref<632x64xf32, #tpu.memory_space<vmem_shared>>) target(%dma_start3A_17 : memref<632x64xf32, #tpu.memory_space<hbm>>) target_semaphore(%run_scoped3A : memref<!tpu.dma_semaphore, #tpu.memory_space<semaphore_mem>>)
      %dma_wait3A = arith.constant 0 : i32
      %dma_wait3A_20 = tpu.memref_slice %arg6[%arg0, %mul3A_2, %dma_wait3A] : memref<2x10112x64xf32, #tpu.memory_space<hbm>> -> memref<1x632x64xf32, #tpu.memory_space<hbm>>
      %dma_wait3A_21 = tpu.memref_squeeze %dma_wait3A_20 : memref<1x632x64xf32, #tpu.memory_space<hbm>> -> memref<632x64xf32, #tpu.memory_space<hbm>>
      %dma_wait3A_22 = arith.constant 0 : i32
      %dma_wait3A_23 = tpu.memref_slice %arg11[%mul3A_2, %dma_wait3A_22] : memref<10112x64xf32, #tpu.memory_space<vmem_shared>> -> memref<632x64xf32, #tpu.memory_space<vmem_shared>>
      tpu.wait_dma2 semaphore(%run_scoped3A : memref<!tpu.dma_semaphore, #tpu.memory_space<semaphore_mem>>) src(%dma_wait3A_23 : memref<632x64xf32, #tpu.memory_space<vmem_shared>>) dst(%dma_wait3A_21 : memref<632x64xf32, #tpu.memory_space<hbm>>)
      tpu.yield
    }) : () -> ()
    return
  }
}

#map = affine_map<(d0, d1) -> (0, 0)>
#map1 = affine_map<(d0, d1) -> (0, 0, 0)>
module attributes {stable_mosaic.version = 14 : i64} {
  func.func @_agg_body(%arg0: i32, %arg1: i32, %arg2: memref<10000x64xf32, #tpu.memory_space<hbm>>, %arg3: memref<32x158x128xi32, #tpu.memory_space<hbm>>, %arg4: memref<32x158x128xi32, #tpu.memory_space<hbm>>, %arg5: memref<10112x64xf32, #tpu.memory_space<hbm>>, %arg6: memref<2x10112x64xf32, #tpu.memory_space<hbm>>, %arg7: memref<158x128xi32, #tpu.memory_space<vmem>>, %arg8: memref<158x128xi32, #tpu.memory_space<vmem>>, %arg9: memref<128x64xf32, #tpu.memory_space<vmem>>, %arg10: memref<128x64xf32, #tpu.memory_space<vmem>>, %arg11: memref<10112x64xf32, #tpu.memory_space<vmem_shared>>, %arg12: memref<!tpu.dma_semaphore, #tpu.memory_space<semaphore_mem>>, %arg13: memref<!tpu.dma_semaphore, #tpu.memory_space<semaphore_mem>>) attributes {dimension_semantics = [#tpu.dimension_semantics<core_parallel>, #tpu.dimension_semantics<subcore_parallel>], iteration_bounds = array<i64: 2, 16>, scalar_prefetch = 0 : i64, scratch_operands = 7 : i64, tpu.core_type = #tpu.core_type<sc_vector_subcore>, window_params = [{transform_indices = #map}, {transform_indices = #map1}, {transform_indices = #map1}, {transform_indices = #map}, {transform_indices = #map1}]} {
    %mul3A = arith.constant 2 : i32
    %mul3A_0 = arith.muli %arg1, %mul3A : i32
    %add3A = arith.addi %mul3A_0, %arg0 : i32
    %mul3A_1 = arith.constant 632 : i32
    %mul3A_2 = arith.muli %arg1, %mul3A_1 : i32
    "tpu.region"() ({
      %run_scoped3A = tpu.sem_alloc : memref<!tpu.dma_semaphore, #tpu.memory_space<semaphore_mem>>
      %dma_start3A_15 = arith.constant 0 : i32
      %dma_start3A_16 = arith.constant 0 : i32
      %dma_start3A_17 = tpu.memref_slice %arg3[%add3A, %dma_start3A_15, %dma_start3A_16] : memref<32x158x128xi32, #tpu.memory_space<hbm>> -> memref<1x158x128xi32, #tpu.memory_space<hbm>>
      %dma_start3A_18 = tpu.memref_squeeze %dma_start3A_17 : memref<1x158x128xi32, #tpu.memory_space<hbm>> -> memref<158x128xi32, #tpu.memory_space<hbm>>
      %dma_start3A_19 = arith.constant 0 : i32
      %dma_start3A_20 = arith.constant 0 : i32
      %dma_start3A_21 = tpu.memref_slice %arg3[%add3A, %dma_start3A_19, %dma_start3A_20] : memref<32x158x128xi32, #tpu.memory_space<hbm>> -> memref<1x158x128xi32, #tpu.memory_space<hbm>>
      %dma_start3A_22 = tpu.memref_squeeze %dma_start3A_21 : memref<1x158x128xi32, #tpu.memory_space<hbm>> -> memref<158x128xi32, #tpu.memory_space<hbm>>
      tpu.enqueue_dma source(%dma_start3A_22 : memref<158x128xi32, #tpu.memory_space<hbm>>) target(%arg7 : memref<158x128xi32, #tpu.memory_space<vmem>>) target_semaphore(%run_scoped3A : memref<!tpu.dma_semaphore, #tpu.memory_space<semaphore_mem>>)
      %dma_wait3A = arith.constant 0 : i32
      %dma_wait3A_23 = arith.constant 0 : i32
      %dma_wait3A_24 = tpu.memref_slice %arg3[%add3A, %dma_wait3A, %dma_wait3A_23] : memref<32x158x128xi32, #tpu.memory_space<hbm>> -> memref<1x158x128xi32, #tpu.memory_space<hbm>>
      %dma_wait3A_25 = tpu.memref_squeeze %dma_wait3A_24 : memref<1x158x128xi32, #tpu.memory_space<hbm>> -> memref<158x128xi32, #tpu.memory_space<hbm>>
      %dma_wait3A_26 = arith.constant 0 : i32
      %dma_wait3A_27 = arith.constant 0 : i32
      %dma_wait3A_28 = tpu.memref_slice %arg3[%add3A, %dma_wait3A_26, %dma_wait3A_27] : memref<32x158x128xi32, #tpu.memory_space<hbm>> -> memref<1x158x128xi32, #tpu.memory_space<hbm>>
      %dma_wait3A_29 = tpu.memref_squeeze %dma_wait3A_28 : memref<1x158x128xi32, #tpu.memory_space<hbm>> -> memref<158x128xi32, #tpu.memory_space<hbm>>
      tpu.wait_dma2 semaphore(%run_scoped3A : memref<!tpu.dma_semaphore, #tpu.memory_space<semaphore_mem>>) src(%dma_wait3A_29 : memref<158x128xi32, #tpu.memory_space<hbm>>) dst(%arg7 : memref<158x128xi32, #tpu.memory_space<vmem>>)
      tpu.yield
    }) : () -> ()
    "tpu.region"() ({
      %run_scoped3A = tpu.sem_alloc : memref<!tpu.dma_semaphore, #tpu.memory_space<semaphore_mem>>
      %dma_start3A_15 = arith.constant 0 : i32
      %dma_start3A_16 = arith.constant 0 : i32
      %dma_start3A_17 = tpu.memref_slice %arg4[%add3A, %dma_start3A_15, %dma_start3A_16] : memref<32x158x128xi32, #tpu.memory_space<hbm>> -> memref<1x158x128xi32, #tpu.memory_space<hbm>>
      %dma_start3A_18 = tpu.memref_squeeze %dma_start3A_17 : memref<1x158x128xi32, #tpu.memory_space<hbm>> -> memref<158x128xi32, #tpu.memory_space<hbm>>
      %dma_start3A_19 = arith.constant 0 : i32
      %dma_start3A_20 = arith.constant 0 : i32
      %dma_start3A_21 = tpu.memref_slice %arg4[%add3A, %dma_start3A_19, %dma_start3A_20] : memref<32x158x128xi32, #tpu.memory_space<hbm>> -> memref<1x158x128xi32, #tpu.memory_space<hbm>>
      %dma_start3A_22 = tpu.memref_squeeze %dma_start3A_21 : memref<1x158x128xi32, #tpu.memory_space<hbm>> -> memref<158x128xi32, #tpu.memory_space<hbm>>
      tpu.enqueue_dma source(%dma_start3A_22 : memref<158x128xi32, #tpu.memory_space<hbm>>) target(%arg8 : memref<158x128xi32, #tpu.memory_space<vmem>>) target_semaphore(%run_scoped3A : memref<!tpu.dma_semaphore, #tpu.memory_space<semaphore_mem>>)
      %dma_wait3A = arith.constant 0 : i32
      %dma_wait3A_23 = arith.constant 0 : i32
      %dma_wait3A_24 = tpu.memref_slice %arg4[%add3A, %dma_wait3A, %dma_wait3A_23] : memref<32x158x128xi32, #tpu.memory_space<hbm>> -> memref<1x158x128xi32, #tpu.memory_space<hbm>>
      %dma_wait3A_25 = tpu.memref_squeeze %dma_wait3A_24 : memref<1x158x128xi32, #tpu.memory_space<hbm>> -> memref<158x128xi32, #tpu.memory_space<hbm>>
      %dma_wait3A_26 = arith.constant 0 : i32
      %dma_wait3A_27 = arith.constant 0 : i32
      %dma_wait3A_28 = tpu.memref_slice %arg4[%add3A, %dma_wait3A_26, %dma_wait3A_27] : memref<32x158x128xi32, #tpu.memory_space<hbm>> -> memref<1x158x128xi32, #tpu.memory_space<hbm>>
      %dma_wait3A_29 = tpu.memref_squeeze %dma_wait3A_28 : memref<1x158x128xi32, #tpu.memory_space<hbm>> -> memref<158x128xi32, #tpu.memory_space<hbm>>
      tpu.wait_dma2 semaphore(%run_scoped3A : memref<!tpu.dma_semaphore, #tpu.memory_space<semaphore_mem>>) src(%dma_wait3A_29 : memref<158x128xi32, #tpu.memory_space<hbm>>) dst(%arg8 : memref<158x128xi32, #tpu.memory_space<vmem>>)
      tpu.yield
    }) : () -> ()
    "tpu.region"() ({
      %run_scoped3A = tpu.sem_alloc : memref<!tpu.dma_semaphore, #tpu.memory_space<semaphore_mem>>
      %dma_start3A_15 = arith.constant 0 : i32
      %dma_start3A_16 = tpu.memref_slice %arg11[%mul3A_2, %dma_start3A_15] : memref<10112x64xf32, #tpu.memory_space<vmem_shared>> -> memref<632x64xf32, #tpu.memory_space<vmem_shared>>
      %dma_start3A_17 = arith.constant 0 : i32
      %dma_start3A_18 = tpu.memref_slice %arg5[%mul3A_2, %dma_start3A_17] : memref<10112x64xf32, #tpu.memory_space<hbm>> -> memref<632x64xf32, #tpu.memory_space<hbm>>
      tpu.enqueue_dma source(%dma_start3A_18 : memref<632x64xf32, #tpu.memory_space<hbm>>) target(%dma_start3A_16 : memref<632x64xf32, #tpu.memory_space<vmem_shared>>) target_semaphore(%run_scoped3A : memref<!tpu.dma_semaphore, #tpu.memory_space<semaphore_mem>>)
      %dma_wait3A = arith.constant 0 : i32
      %dma_wait3A_19 = tpu.memref_slice %arg11[%mul3A_2, %dma_wait3A] : memref<10112x64xf32, #tpu.memory_space<vmem_shared>> -> memref<632x64xf32, #tpu.memory_space<vmem_shared>>
      %dma_wait3A_20 = arith.constant 0 : i32
      %dma_wait3A_21 = tpu.memref_slice %arg5[%mul3A_2, %dma_wait3A_20] : memref<10112x64xf32, #tpu.memory_space<hbm>> -> memref<632x64xf32, #tpu.memory_space<hbm>>
      tpu.wait_dma2 semaphore(%run_scoped3A : memref<!tpu.dma_semaphore, #tpu.memory_space<semaphore_mem>>) src(%dma_wait3A_21 : memref<632x64xf32, #tpu.memory_space<hbm>>) dst(%dma_wait3A_19 : memref<632x64xf32, #tpu.memory_space<vmem_shared>>)
      tpu.yield
    }) : () -> ()
    %barrier3A = arith.constant 0 : index
    tpu.barrier barrier_id(%barrier3A)
    %dma_start3A = arith.constant 0 : i32
    %dma_start3A_3 = arith.constant 0 : i32
    %dma_start3A_4 = tpu.memref_slice %arg7[%dma_start3A, %dma_start3A_3] : memref<158x128xi32, #tpu.memory_space<vmem>> -> memref<1x128xi32, #tpu.memory_space<vmem>>
    %dma_start3A_5 = tpu.memref_squeeze %dma_start3A_4 : memref<1x128xi32, #tpu.memory_space<vmem>> -> memref<128xi32, #tpu.memory_space<vmem>>
    %dma_start3A_6 = arith.constant 0 : i32
    %dma_start3A_7 = arith.constant 0 : i32
    %dma_start3A_8 = tpu.memref_slice %arg2[%dma_start3A_6, %dma_start3A_7] : memref<10000x64xf32, #tpu.memory_space<hbm>> -> memref<10000x64xf32, #tpu.memory_space<hbm>>
    tpu.enqueue_indirect_dma source(%dma_start3A_8 : memref<10000x64xf32, #tpu.memory_space<hbm>>) target(%arg9 : memref<128x64xf32, #tpu.memory_space<vmem>>) offsets(%dma_start3A_5 : memref<128xi32, #tpu.memory_space<vmem>>) semaphore(%arg12 : memref<!tpu.dma_semaphore, #tpu.memory_space<semaphore_mem>>)
    %scan3A = arith.constant 0 : i32
    %scan3A_9 = arith.constant 0 : i32
    %scan3A_10 = arith.constant 79 : i32
    %scan3A_11 = arith.addi %scan3A_9, %scan3A_10 : i32
    %scan3A_12 = arith.constant 1 : i32
    scf.for %scan3A_15 = %scan3A_9 to %scan3A_11 step %scan3A_12  : i32 {
      %mul3A_16 = arith.constant 2 : i32
      %mul3A_17 = arith.muli %scan3A_15, %mul3A_16 : i32
      %add3A_18 = arith.constant 1 : i32
      %add3A_19 = arith.addi %mul3A_17, %add3A_18 : i32
      %dma_start3A_20 = arith.constant 0 : i32
      %dma_start3A_21 = tpu.memref_slice %arg7[%add3A_19, %dma_start3A_20] : memref<158x128xi32, #tpu.memory_space<vmem>> -> memref<1x128xi32, #tpu.memory_space<vmem>>
      %dma_start3A_22 = tpu.memref_squeeze %dma_start3A_21 : memref<1x128xi32, #tpu.memory_space<vmem>> -> memref<128xi32, #tpu.memory_space<vmem>>
      %dma_start3A_23 = arith.constant 0 : i32
      %dma_start3A_24 = arith.constant 0 : i32
      %dma_start3A_25 = tpu.memref_slice %arg2[%dma_start3A_23, %dma_start3A_24] : memref<10000x64xf32, #tpu.memory_space<hbm>> -> memref<10000x64xf32, #tpu.memory_space<hbm>>
      tpu.enqueue_indirect_dma source(%dma_start3A_25 : memref<10000x64xf32, #tpu.memory_space<hbm>>) target(%arg10 : memref<128x64xf32, #tpu.memory_space<vmem>>) offsets(%dma_start3A_22 : memref<128xi32, #tpu.memory_space<vmem>>) semaphore(%arg13 : memref<!tpu.dma_semaphore, #tpu.memory_space<semaphore_mem>>)
      %dma_wait3A = arith.constant 0 : i32
      %dma_wait3A_26 = tpu.memref_slice %arg7[%mul3A_17, %dma_wait3A] : memref<158x128xi32, #tpu.memory_space<vmem>> -> memref<1x128xi32, #tpu.memory_space<vmem>>
      %dma_wait3A_27 = tpu.memref_squeeze %dma_wait3A_26 : memref<1x128xi32, #tpu.memory_space<vmem>> -> memref<128xi32, #tpu.memory_space<vmem>>
      %dma_wait3A_28 = arith.constant 0 : i32
      %dma_wait3A_29 = arith.constant 0 : i32
      %dma_wait3A_30 = tpu.memref_slice %arg2[%dma_wait3A_28, %dma_wait3A_29] : memref<10000x64xf32, #tpu.memory_space<hbm>> -> memref<10000x64xf32, #tpu.memory_space<hbm>>
      tpu.wait_indirect_dma semaphore(%arg12 : memref<!tpu.dma_semaphore, #tpu.memory_space<semaphore_mem>>) src(%dma_wait3A_30 : memref<10000x64xf32, #tpu.memory_space<hbm>>) dst(%arg9 : memref<128x64xf32, #tpu.memory_space<vmem>>)
      "tpu.region"() ({
        %run_scoped3A = tpu.sem_alloc : memref<!tpu.dma_semaphore, #tpu.memory_space<semaphore_mem>>
        %dma_start3A_45 = arith.constant 0 : i32
        %dma_start3A_46 = tpu.memref_slice %arg8[%mul3A_17, %dma_start3A_45] : memref<158x128xi32, #tpu.memory_space<vmem>> -> memref<1x128xi32, #tpu.memory_space<vmem>>
        %dma_start3A_47 = tpu.memref_squeeze %dma_start3A_46 : memref<1x128xi32, #tpu.memory_space<vmem>> -> memref<128xi32, #tpu.memory_space<vmem>>
        %dma_start3A_48 = arith.constant 0 : i32
        %dma_start3A_49 = arith.constant 0 : i32
        %dma_start3A_50 = tpu.memref_slice %arg11[%dma_start3A_48, %dma_start3A_49] : memref<10112x64xf32, #tpu.memory_space<vmem_shared>> -> memref<10112x64xf32, #tpu.memory_space<vmem_shared>>
        tpu.enqueue_indirect_dma source(%arg9 : memref<128x64xf32, #tpu.memory_space<vmem>>) target(%dma_start3A_50 : memref<10112x64xf32, #tpu.memory_space<vmem_shared>>) offsets(%dma_start3A_47 : memref<128xi32, #tpu.memory_space<vmem>>) semaphore(%run_scoped3A : memref<!tpu.dma_semaphore, #tpu.memory_space<semaphore_mem>>) {add = true}
        %dma_wait3A_51 = arith.constant 0 : i32
        %dma_wait3A_52 = tpu.memref_slice %arg8[%mul3A_17, %dma_wait3A_51] : memref<158x128xi32, #tpu.memory_space<vmem>> -> memref<1x128xi32, #tpu.memory_space<vmem>>
        %dma_wait3A_53 = tpu.memref_squeeze %dma_wait3A_52 : memref<1x128xi32, #tpu.memory_space<vmem>> -> memref<128xi32, #tpu.memory_space<vmem>>
        %dma_wait3A_54 = arith.constant 0 : i32
        %dma_wait3A_55 = arith.constant 0 : i32
        %dma_wait3A_56 = tpu.memref_slice %arg11[%dma_wait3A_54, %dma_wait3A_55] : memref<10112x64xf32, #tpu.memory_space<vmem_shared>> -> memref<10112x64xf32, #tpu.memory_space<vmem_shared>>
        tpu.wait_indirect_dma semaphore(%run_scoped3A : memref<!tpu.dma_semaphore, #tpu.memory_space<semaphore_mem>>) src(%arg9 : memref<128x64xf32, #tpu.memory_space<vmem>>) dst(%dma_wait3A_56 : memref<10112x64xf32, #tpu.memory_space<vmem_shared>>)
        tpu.yield
      }) : () -> ()
      %add3A_31 = arith.constant 2 : i32
      %add3A_32 = arith.addi %mul3A_17, %add3A_31 : i32
      %lt3A = arith.constant 158 : i32
      %lt3A_33 = arith.cmpi slt, %add3A_32, %lt3A : i32
      %convert_element_type3A = arith.extui %lt3A_33 : i1 to i32
      %cond3A = arith.constant 0 : i32
      %cond3A_34 = arith.cmpi ne, %convert_element_type3A, %cond3A : i32
      scf.if %cond3A_34 {
        %add3A_45 = arith.constant 2 : i32
        %add3A_46 = arith.addi %mul3A_17, %add3A_45 : i32
        %dma_start3A_47 = arith.constant 0 : i32
        %dma_start3A_48 = tpu.memref_slice %arg7[%add3A_46, %dma_start3A_47] : memref<158x128xi32, #tpu.memory_space<vmem>> -> memref<1x128xi32, #tpu.memory_space<vmem>>
        %dma_start3A_49 = tpu.memref_squeeze %dma_start3A_48 : memref<1x128xi32, #tpu.memory_space<vmem>> -> memref<128xi32, #tpu.memory_space<vmem>>
        %dma_start3A_50 = arith.constant 0 : i32
        %dma_start3A_51 = arith.constant 0 : i32
        %dma_start3A_52 = tpu.memref_slice %arg2[%dma_start3A_50, %dma_start3A_51] : memref<10000x64xf32, #tpu.memory_space<hbm>> -> memref<10000x64xf32, #tpu.memory_space<hbm>>
        tpu.enqueue_indirect_dma source(%dma_start3A_52 : memref<10000x64xf32, #tpu.memory_space<hbm>>) target(%arg9 : memref<128x64xf32, #tpu.memory_space<vmem>>) offsets(%dma_start3A_49 : memref<128xi32, #tpu.memory_space<vmem>>) semaphore(%arg12 : memref<!tpu.dma_semaphore, #tpu.memory_space<semaphore_mem>>)
      } else {
      }
      %add3A_35 = arith.constant 1 : i32
      %add3A_36 = arith.addi %mul3A_17, %add3A_35 : i32
      %dma_wait3A_37 = arith.constant 0 : i32
      %dma_wait3A_38 = tpu.memref_slice %arg7[%add3A_36, %dma_wait3A_37] : memref<158x128xi32, #tpu.memory_space<vmem>> -> memref<1x128xi32, #tpu.memory_space<vmem>>
      %dma_wait3A_39 = tpu.memref_squeeze %dma_wait3A_38 : memref<1x128xi32, #tpu.memory_space<vmem>> -> memref<128xi32, #tpu.memory_space<vmem>>
      %dma_wait3A_40 = arith.constant 0 : i32
      %dma_wait3A_41 = arith.constant 0 : i32
      %dma_wait3A_42 = tpu.memref_slice %arg2[%dma_wait3A_40, %dma_wait3A_41] : memref<10000x64xf32, #tpu.memory_space<hbm>> -> memref<10000x64xf32, #tpu.memory_space<hbm>>
      tpu.wait_indirect_dma semaphore(%arg13 : memref<!tpu.dma_semaphore, #tpu.memory_space<semaphore_mem>>) src(%dma_wait3A_42 : memref<10000x64xf32, #tpu.memory_space<hbm>>) dst(%arg10 : memref<128x64xf32, #tpu.memory_space<vmem>>)
      %add3A_43 = arith.constant 1 : i32
      %add3A_44 = arith.addi %mul3A_17, %add3A_43 : i32
      "tpu.region"() ({
        %run_scoped3A = tpu.sem_alloc : memref<!tpu.dma_semaphore, #tpu.memory_space<semaphore_mem>>
        %dma_start3A_45 = arith.constant 0 : i32
        %dma_start3A_46 = tpu.memref_slice %arg8[%add3A_44, %dma_start3A_45] : memref<158x128xi32, #tpu.memory_space<vmem>> -> memref<1x128xi32, #tpu.memory_space<vmem>>
        %dma_start3A_47 = tpu.memref_squeeze %dma_start3A_46 : memref<1x128xi32, #tpu.memory_space<vmem>> -> memref<128xi32, #tpu.memory_space<vmem>>
        %dma_start3A_48 = arith.constant 0 : i32
        %dma_start3A_49 = arith.constant 0 : i32
        %dma_start3A_50 = tpu.memref_slice %arg11[%dma_start3A_48, %dma_start3A_49] : memref<10112x64xf32, #tpu.memory_space<vmem_shared>> -> memref<10112x64xf32, #tpu.memory_space<vmem_shared>>
        tpu.enqueue_indirect_dma source(%arg10 : memref<128x64xf32, #tpu.memory_space<vmem>>) target(%dma_start3A_50 : memref<10112x64xf32, #tpu.memory_space<vmem_shared>>) offsets(%dma_start3A_47 : memref<128xi32, #tpu.memory_space<vmem>>) semaphore(%run_scoped3A : memref<!tpu.dma_semaphore, #tpu.memory_space<semaphore_mem>>) {add = true}
        %dma_wait3A_51 = arith.constant 0 : i32
        %dma_wait3A_52 = tpu.memref_slice %arg8[%add3A_44, %dma_wait3A_51] : memref<158x128xi32, #tpu.memory_space<vmem>> -> memref<1x128xi32, #tpu.memory_space<vmem>>
        %dma_wait3A_53 = tpu.memref_squeeze %dma_wait3A_52 : memref<1x128xi32, #tpu.memory_space<vmem>> -> memref<128xi32, #tpu.memory_space<vmem>>
        %dma_wait3A_54 = arith.constant 0 : i32
        %dma_wait3A_55 = arith.constant 0 : i32
        %dma_wait3A_56 = tpu.memref_slice %arg11[%dma_wait3A_54, %dma_wait3A_55] : memref<10112x64xf32, #tpu.memory_space<vmem_shared>> -> memref<10112x64xf32, #tpu.memory_space<vmem_shared>>
        tpu.wait_indirect_dma semaphore(%run_scoped3A : memref<!tpu.dma_semaphore, #tpu.memory_space<semaphore_mem>>) src(%arg10 : memref<128x64xf32, #tpu.memory_space<vmem>>) dst(%dma_wait3A_56 : memref<10112x64xf32, #tpu.memory_space<vmem_shared>>)
        tpu.yield
      }) : () -> ()
    }
    %scan3A_13 = arith.constant 79 : i32
    %barrier3A_14 = arith.constant 0 : index
    tpu.barrier barrier_id(%barrier3A_14)
    "tpu.region"() ({
      %run_scoped3A = tpu.sem_alloc : memref<!tpu.dma_semaphore, #tpu.memory_space<semaphore_mem>>
      %dma_start3A_15 = arith.constant 0 : i32
      %dma_start3A_16 = tpu.memref_slice %arg6[%arg0, %mul3A_2, %dma_start3A_15] : memref<2x10112x64xf32, #tpu.memory_space<hbm>> -> memref<1x632x64xf32, #tpu.memory_space<hbm>>
      %dma_start3A_17 = tpu.memref_squeeze %dma_start3A_16 : memref<1x632x64xf32, #tpu.memory_space<hbm>> -> memref<632x64xf32, #tpu.memory_space<hbm>>
      %dma_start3A_18 = arith.constant 0 : i32
      %dma_start3A_19 = tpu.memref_slice %arg11[%mul3A_2, %dma_start3A_18] : memref<10112x64xf32, #tpu.memory_space<vmem_shared>> -> memref<632x64xf32, #tpu.memory_space<vmem_shared>>
      tpu.enqueue_dma source(%dma_start3A_19 : memref<632x64xf32, #tpu.memory_space<vmem_shared>>) target(%dma_start3A_17 : memref<632x64xf32, #tpu.memory_space<hbm>>) target_semaphore(%run_scoped3A : memref<!tpu.dma_semaphore, #tpu.memory_space<semaphore_mem>>)
      %dma_wait3A = arith.constant 0 : i32
      %dma_wait3A_20 = tpu.memref_slice %arg6[%arg0, %mul3A_2, %dma_wait3A] : memref<2x10112x64xf32, #tpu.memory_space<hbm>> -> memref<1x632x64xf32, #tpu.memory_space<hbm>>
      %dma_wait3A_21 = tpu.memref_squeeze %dma_wait3A_20 : memref<1x632x64xf32, #tpu.memory_space<hbm>> -> memref<632x64xf32, #tpu.memory_space<hbm>>
      %dma_wait3A_22 = arith.constant 0 : i32
      %dma_wait3A_23 = tpu.memref_slice %arg11[%mul3A_2, %dma_wait3A_22] : memref<10112x64xf32, #tpu.memory_space<vmem_shared>> -> memref<632x64xf32, #tpu.memory_space<vmem_shared>>
      tpu.wait_dma2 semaphore(%run_scoped3A : memref<!tpu.dma_semaphore, #tpu.memory_space<semaphore_mem>>) src(%dma_wait3A_23 : memref<632x64xf32, #tpu.memory_space<vmem_shared>>) dst(%dma_wait3A_21 : memref<632x64xf32, #tpu.memory_space<hbm>>)
      tpu.yield
    }) : () -> ()
    return
  }
}

module attributes {stable_mosaic.version = 14 : i64} {
  func.func @_first_body(%arg0: i32, %arg1: memref<1000x128xf32, #tpu.memory_space<vmem>>, %arg2: memref<128x64xf32, #tpu.memory_space<vmem>>, %arg3: memref<2x1000x16xf32, #tpu.memory_space<vmem>>, %arg4: memref<1000x64xf32, #tpu.memory_space<vmem>>) attributes {dimension_semantics = [#tpu.dimension_semantics<arbitrary>], iteration_bounds = array<i64: 10>, scalar_prefetch = 0 : i64, scratch_operands = 0 : i64, tpu.core_type = #tpu.core_type<tc>, window_params = [{transform_indices = @transform_0, window_bounds = array<i64: 1000, 128>}, {pipeline_mode = #tpu.pipeline_mode<synchronous>, transform_indices = @transform_1, window_bounds = array<i64: 128, 64>}, {transform_indices = @transform_2, window_bounds = array<i64: 2, 1000, 16>}, {transform_indices = @transform_3, window_bounds = array<i64: 1000, 64>}]} {
    %get3A = arith.constant 0 : index
    %get3A_0 = arith.constant 0 : index
    %get3A_1 = arith.constant 0 : index
    %get3A_2 = vector.load %arg3[%get3A, %get3A_0, %get3A_1] : memref<2x1000x16xf32, #tpu.memory_space<vmem>>, vector<2x1000x16xf32>
    %slice3A = vector.extract_strided_slice %get3A_2 {offsets = [0, 0, 0], sizes = [1, 1000, 1], strides = [1, 1, 1]} : vector<2x1000x16xf32> to vector<1x1000x1xf32>
    %squeeze3A = vector.shape_cast %slice3A : vector<1x1000x1xf32> to vector<1000x1xf32>
    %slice3A_3 = vector.extract_strided_slice %get3A_2 {offsets = [1, 0, 0], sizes = [1, 1000, 1], strides = [1, 1, 1]} : vector<2x1000x16xf32> to vector<1x1000x1xf32>
    %squeeze3A_4 = vector.shape_cast %slice3A_3 : vector<1x1000x1xf32> to vector<1000x1xf32>
    %add3A = arith.addf %squeeze3A, %squeeze3A_4 : vector<1000x1xf32>
    %add3A_5 = arith.constant 1.000000e+00 : f32
    %add3A_6 = vector.broadcast %add3A_5 : f32 to vector<1000x1xf32>
    %add3A_7 = arith.addf %add3A, %add3A_6 : vector<1000x1xf32>
    %sqrt3A = math.sqrt %add3A_7 : vector<1000x1xf32>
    %div3A = arith.constant 1.000000e+00 : f32
    %div3A_8 = vector.broadcast %div3A : f32 to vector<1000x1xf32>
    %div3A_9 = arith.divf %div3A_8, %sqrt3A : vector<1000x1xf32>
    %get3A_10 = arith.constant 0 : index
    %get3A_11 = arith.constant 0 : index
    %get3A_12 = vector.load %arg1[%get3A_10, %get3A_11] : memref<1000x128xf32, #tpu.memory_space<vmem>>, vector<1000x128xf32>
    %get3A_13 = arith.constant 0 : index
    %get3A_14 = arith.constant 0 : index
    %get3A_15 = vector.load %arg2[%get3A_13, %get3A_14] : memref<128x64xf32, #tpu.memory_space<vmem>>, vector<128x64xf32>
    %dot_general3A = arith.constant dense<0.000000e+00> : vector<1000x64xf32>
    %dot_general3A_16 = tpu.matmul %get3A_12, %get3A_15, %dot_general3A {dimension_numbers = #tpu.dot_dimension_numbers<[1], [0], [0], [1], [0, 0, 1, 1], [], []>, transpose_lhs_hint = false} : vector<1000x128xf32>, vector<128x64xf32>, vector<1000x64xf32> -> vector<1000x64xf32>
    %mul3A = vector.broadcast %div3A_9 : vector<1000x1xf32> to vector<1000x64xf32>
    %mul3A_17 = arith.mulf %mul3A, %dot_general3A_16 : vector<1000x64xf32>
    %swap3A = arith.constant 0 : index
    %swap3A_18 = arith.constant 0 : index
    %swap3A_19 = vector.load %arg4[%swap3A, %swap3A_18] : memref<1000x64xf32, #tpu.memory_space<vmem>>, vector<1000x64xf32>
    tpu.vector_store %arg4[%swap3A, %swap3A_18], %mul3A_17 {strides = array<i32>} : memref<1000x64xf32, #tpu.memory_space<vmem>>, vector<1000x64xf32>,
    return
  }
  func.func @transform_0(%arg0: i32) -> (i32, i32) {
    %c0_i32 = arith.constant 0 : i32
    %c0_i32_0 = arith.constant 0 : i32
    return %arg0, %c0_i32 : i32, i32
  }
  func.func @transform_1(%arg0: i32) -> (i32, i32) {
    %c0_i32 = arith.constant 0 : i32
    %c0_i32_0 = arith.constant 0 : i32
    %c0_i32_1 = arith.constant 0 : i32
    return %c0_i32, %c0_i32_0 : i32, i32
  }
  func.func @transform_2(%arg0: i32) -> (i32, i32, i32) {
    %c0_i32 = arith.constant 0 : i32
    %c0_i32_0 = arith.constant 0 : i32
    %c0_i32_1 = arith.constant 0 : i32
    return %c0_i32, %arg0, %c0_i32_0 : i32, i32, i32
  }
  func.func @transform_3(%arg0: i32) -> (i32, i32) {
    %c0_i32 = arith.constant 0 : i32
    %c0_i32_0 = arith.constant 0 : i32
    return %arg0, %c0_i32 : i32, i32
  }
}

module attributes {stable_mosaic.version = 14 : i64} {
  func.func @_mid_body(%arg0: i32, %arg1: memref<2x1000x64xf32, #tpu.memory_space<vmem>>, %arg2: memref<1000x64xf32, #tpu.memory_space<vmem>>, %arg3: memref<2x1000x16xf32, #tpu.memory_space<vmem>>, %arg4: memref<1x64xf32, #tpu.memory_space<vmem>>, %arg5: memref<64x64xf32, #tpu.memory_space<vmem>>, %arg6: memref<1000x64xf32, #tpu.memory_space<vmem>>) attributes {dimension_semantics = [#tpu.dimension_semantics<arbitrary>], iteration_bounds = array<i64: 10>, scalar_prefetch = 0 : i64, scratch_operands = 0 : i64, tpu.core_type = #tpu.core_type<tc>, window_params = [{transform_indices = @transform_0, window_bounds = array<i64: 2, 1000, 64>}, {transform_indices = @transform_1, window_bounds = array<i64: 1000, 64>}, {transform_indices = @transform_2, window_bounds = array<i64: 2, 1000, 16>}, {pipeline_mode = #tpu.pipeline_mode<synchronous>, transform_indices = @transform_3, window_bounds = array<i64: 1, 64>}, {pipeline_mode = #tpu.pipeline_mode<synchronous>, transform_indices = @transform_4, window_bounds = array<i64: 64, 64>}, {transform_indices = @transform_5, window_bounds = array<i64: 1000, 64>}]} {
    %get3A = arith.constant 0 : index
    %get3A_0 = arith.constant 0 : index
    %get3A_1 = arith.constant 0 : index
    %get3A_2 = vector.load %arg3[%get3A, %get3A_0, %get3A_1] : memref<2x1000x16xf32, #tpu.memory_space<vmem>>, vector<2x1000x16xf32>
    %slice3A = vector.extract_strided_slice %get3A_2 {offsets = [0, 0, 0], sizes = [1, 1000, 1], strides = [1, 1, 1]} : vector<2x1000x16xf32> to vector<1x1000x1xf32>
    %squeeze3A = vector.shape_cast %slice3A : vector<1x1000x1xf32> to vector<1000x1xf32>
    %slice3A_3 = vector.extract_strided_slice %get3A_2 {offsets = [1, 0, 0], sizes = [1, 1000, 1], strides = [1, 1, 1]} : vector<2x1000x16xf32> to vector<1x1000x1xf32>
    %squeeze3A_4 = vector.shape_cast %slice3A_3 : vector<1x1000x1xf32> to vector<1000x1xf32>
    %add3A = arith.addf %squeeze3A, %squeeze3A_4 : vector<1000x1xf32>
    %add3A_5 = arith.constant 1.000000e+00 : f32
    %add3A_6 = vector.broadcast %add3A_5 : f32 to vector<1000x1xf32>
    %add3A_7 = arith.addf %add3A, %add3A_6 : vector<1000x1xf32>
    %sqrt3A = math.sqrt %add3A_7 : vector<1000x1xf32>
    %div3A = arith.constant 1.000000e+00 : f32
    %div3A_8 = vector.broadcast %div3A : f32 to vector<1000x1xf32>
    %div3A_9 = arith.divf %div3A_8, %sqrt3A : vector<1000x1xf32>
    %get3A_10 = arith.constant 0 : index
    %get3A_11 = arith.constant 0 : index
    %get3A_12 = arith.constant 0 : index
    %get3A_13 = vector.load %arg1[%get3A_10, %get3A_11, %get3A_12] : memref<2x1000x64xf32, #tpu.memory_space<vmem>>, vector<1x1000x64xf32>
    %get3A_14 = vector.shape_cast %get3A_13 : vector<1x1000x64xf32> to vector<1000x64xf32>
    %get3A_15 = arith.constant 1 : index
    %get3A_16 = arith.constant 0 : index
    %get3A_17 = arith.constant 0 : index
    %get3A_18 = vector.load %arg1[%get3A_15, %get3A_16, %get3A_17] : memref<2x1000x64xf32, #tpu.memory_space<vmem>>, vector<1x1000x64xf32>
    %get3A_19 = vector.shape_cast %get3A_18 : vector<1x1000x64xf32> to vector<1000x64xf32>
    %add3A_20 = arith.addf %get3A_14, %get3A_19 : vector<1000x64xf32>
    %get3A_21 = arith.constant 0 : index
    %get3A_22 = arith.constant 0 : index
    %get3A_23 = vector.load %arg2[%get3A_21, %get3A_22] : memref<1000x64xf32, #tpu.memory_space<vmem>>, vector<1000x64xf32>
    %add3A_24 = arith.addf %add3A_20, %get3A_23 : vector<1000x64xf32>
    %mul3A = vector.broadcast %div3A_9 : vector<1000x1xf32> to vector<1000x64xf32>
    %mul3A_25 = arith.mulf %mul3A, %add3A_24 : vector<1000x64xf32>
    %get3A_26 = arith.constant 0 : index
    %get3A_27 = arith.constant 0 : index
    %get3A_28 = vector.load %arg4[%get3A_26, %get3A_27] : memref<1x64xf32, #tpu.memory_space<vmem>>, vector<1x64xf32>
    %add3A_29 = vector.broadcast %get3A_28 : vector<1x64xf32> to vector<1000x64xf32>
    %add3A_30 = arith.addf %mul3A_25, %add3A_29 : vector<1000x64xf32>
    %max3A = arith.constant 0.000000e+00 : f32
    %max3A_31 = vector.broadcast %max3A : f32 to vector<1000x64xf32>
    %max3A_32 = arith.maximumf %add3A_30, %max3A_31 : vector<1000x64xf32>
    %get3A_33 = arith.constant 0 : index
    %get3A_34 = arith.constant 0 : index
    %get3A_35 = vector.load %arg5[%get3A_33, %get3A_34] : memref<64x64xf32, #tpu.memory_space<vmem>>, vector<64x64xf32>
    %dot_general3A = arith.constant dense<0.000000e+00> : vector<1000x64xf32>
    %dot_general3A_36 = tpu.matmul %max3A_32, %get3A_35, %dot_general3A {dimension_numbers = #tpu.dot_dimension_numbers<[1], [0], [0], [1], [0, 0, 1, 1], [], []>, transpose_lhs_hint = false} : vector<1000x64xf32>, vector<64x64xf32>, vector<1000x64xf32> -> vector<1000x64xf32>
    %mul3A_37 = vector.broadcast %div3A_9 : vector<1000x1xf32> to vector<1000x64xf32>
    %mul3A_38 = arith.mulf %mul3A_37, %dot_general3A_36 : vector<1000x64xf32>
    %swap3A = arith.constant 0 : index
    %swap3A_39 = arith.constant 0 : index
    %swap3A_40 = vector.load %arg6[%swap3A, %swap3A_39] : memref<1000x64xf32, #tpu.memory_space<vmem>>, vector<1000x64xf32>
    tpu.vector_store %arg6[%swap3A, %swap3A_39], %mul3A_38 {strides = array<i32>} : memref<1000x64xf32, #tpu.memory_space<vmem>>, vector<1000x64xf32>,
    return
  }
  func.func @transform_0(%arg0: i32) -> (i32, i32, i32) {
    %c0_i32 = arith.constant 0 : i32
    %c0_i32_0 = arith.constant 0 : i32
    %c0_i32_1 = arith.constant 0 : i32
    return %c0_i32, %arg0, %c0_i32_0 : i32, i32, i32
  }
  func.func @transform_1(%arg0: i32) -> (i32, i32) {
    %c0_i32 = arith.constant 0 : i32
    %c0_i32_0 = arith.constant 0 : i32
    return %arg0, %c0_i32 : i32, i32
  }
  func.func @transform_2(%arg0: i32) -> (i32, i32, i32) {
    %c0_i32 = arith.constant 0 : i32
    %c0_i32_0 = arith.constant 0 : i32
    %c0_i32_1 = arith.constant 0 : i32
    return %c0_i32, %arg0, %c0_i32_0 : i32, i32, i32
  }
  func.func @transform_3(%arg0: i32) -> (i32, i32) {
    %c0_i32 = arith.constant 0 : i32
    %c0_i32_0 = arith.constant 0 : i32
    %c0_i32_1 = arith.constant 0 : i32
    return %c0_i32, %c0_i32_0 : i32, i32
  }
  func.func @transform_4(%arg0: i32) -> (i32, i32) {
    %c0_i32 = arith.constant 0 : i32
    %c0_i32_0 = arith.constant 0 : i32
    %c0_i32_1 = arith.constant 0 : i32
    return %c0_i32, %c0_i32_0 : i32, i32
  }
  func.func @transform_5(%arg0: i32) -> (i32, i32) {
    %c0_i32 = arith.constant 0 : i32
    %c0_i32_0 = arith.constant 0 : i32
    return %arg0, %c0_i32 : i32, i32
  }
}

module attributes {stable_mosaic.version = 14 : i64} {
  func.func @_pred_body(%arg0: i32, %arg1: memref<2x1000x64xf32, #tpu.memory_space<vmem>>, %arg2: memref<1000x64xf32, #tpu.memory_space<vmem>>, %arg3: memref<2x1000x16xf32, #tpu.memory_space<vmem>>, %arg4: memref<1x64xf32, #tpu.memory_space<vmem>>, %arg5: memref<64x32xf32, #tpu.memory_space<vmem>>, %arg6: memref<1x32xf32, #tpu.memory_space<vmem>>, %arg7: memref<32x1xf32, #tpu.memory_space<vmem>>, %arg8: memref<1x1xf32, #tpu.memory_space<vmem>>, %arg9: memref<1000x1xf32, #tpu.memory_space<vmem>>) attributes {dimension_semantics = [#tpu.dimension_semantics<arbitrary>], iteration_bounds = array<i64: 10>, scalar_prefetch = 0 : i64, scratch_operands = 0 : i64, tpu.core_type = #tpu.core_type<tc>, window_params = [{transform_indices = @transform_0, window_bounds = array<i64: 2, 1000, 64>}, {transform_indices = @transform_1, window_bounds = array<i64: 1000, 64>}, {transform_indices = @transform_2, window_bounds = array<i64: 2, 1000, 16>}, {pipeline_mode = #tpu.pipeline_mode<synchronous>, transform_indices = @transform_3, window_bounds = array<i64: 1, 64>}, {pipeline_mode = #tpu.pipeline_mode<synchronous>, transform_indices = @transform_4, window_bounds = array<i64: 64, 32>}, {pipeline_mode = #tpu.pipeline_mode<synchronous>, transform_indices = @transform_5, window_bounds = array<i64: 1, 32>}, {pipeline_mode = #tpu.pipeline_mode<synchronous>, transform_indices = @transform_6, window_bounds = array<i64: 32, 1>}, {pipeline_mode = #tpu.pipeline_mode<synchronous>, transform_indices = @transform_7, window_bounds = array<i64: 1, 1>}, {transform_indices = @transform_8, window_bounds = array<i64: 1000, 1>}]} {
    %get3A = arith.constant 0 : index
    %get3A_0 = arith.constant 0 : index
    %get3A_1 = arith.constant 0 : index
    %get3A_2 = vector.load %arg3[%get3A, %get3A_0, %get3A_1] : memref<2x1000x16xf32, #tpu.memory_space<vmem>>, vector<2x1000x16xf32>
    %slice3A = vector.extract_strided_slice %get3A_2 {offsets = [0, 0, 0], sizes = [1, 1000, 1], strides = [1, 1, 1]} : vector<2x1000x16xf32> to vector<1x1000x1xf32>
    %squeeze3A = vector.shape_cast %slice3A : vector<1x1000x1xf32> to vector<1000x1xf32>
    %slice3A_3 = vector.extract_strided_slice %get3A_2 {offsets = [1, 0, 0], sizes = [1, 1000, 1], strides = [1, 1, 1]} : vector<2x1000x16xf32> to vector<1x1000x1xf32>
    %squeeze3A_4 = vector.shape_cast %slice3A_3 : vector<1x1000x1xf32> to vector<1000x1xf32>
    %add3A = arith.addf %squeeze3A, %squeeze3A_4 : vector<1000x1xf32>
    %add3A_5 = arith.constant 1.000000e+00 : f32
    %add3A_6 = vector.broadcast %add3A_5 : f32 to vector<1000x1xf32>
    %add3A_7 = arith.addf %add3A, %add3A_6 : vector<1000x1xf32>
    %sqrt3A = math.sqrt %add3A_7 : vector<1000x1xf32>
    %div3A = arith.constant 1.000000e+00 : f32
    %div3A_8 = vector.broadcast %div3A : f32 to vector<1000x1xf32>
    %div3A_9 = arith.divf %div3A_8, %sqrt3A : vector<1000x1xf32>
    %get3A_10 = arith.constant 0 : index
    %get3A_11 = arith.constant 0 : index
    %get3A_12 = arith.constant 0 : index
    %get3A_13 = vector.load %arg1[%get3A_10, %get3A_11, %get3A_12] : memref<2x1000x64xf32, #tpu.memory_space<vmem>>, vector<1x1000x64xf32>
    %get3A_14 = vector.shape_cast %get3A_13 : vector<1x1000x64xf32> to vector<1000x64xf32>
    %get3A_15 = arith.constant 1 : index
    %get3A_16 = arith.constant 0 : index
    %get3A_17 = arith.constant 0 : index
    %get3A_18 = vector.load %arg1[%get3A_15, %get3A_16, %get3A_17] : memref<2x1000x64xf32, #tpu.memory_space<vmem>>, vector<1x1000x64xf32>
    %get3A_19 = vector.shape_cast %get3A_18 : vector<1x1000x64xf32> to vector<1000x64xf32>
    %add3A_20 = arith.addf %get3A_14, %get3A_19 : vector<1000x64xf32>
    %get3A_21 = arith.constant 0 : index
    %get3A_22 = arith.constant 0 : index
    %get3A_23 = vector.load %arg2[%get3A_21, %get3A_22] : memref<1000x64xf32, #tpu.memory_space<vmem>>, vector<1000x64xf32>
    %add3A_24 = arith.addf %add3A_20, %get3A_23 : vector<1000x64xf32>
    %mul3A = vector.broadcast %div3A_9 : vector<1000x1xf32> to vector<1000x64xf32>
    %mul3A_25 = arith.mulf %mul3A, %add3A_24 : vector<1000x64xf32>
    %get3A_26 = arith.constant 0 : index
    %get3A_27 = arith.constant 0 : index
    %get3A_28 = vector.load %arg4[%get3A_26, %get3A_27] : memref<1x64xf32, #tpu.memory_space<vmem>>, vector<1x64xf32>
    %add3A_29 = vector.broadcast %get3A_28 : vector<1x64xf32> to vector<1000x64xf32>
    %add3A_30 = arith.addf %mul3A_25, %add3A_29 : vector<1000x64xf32>
    %max3A = arith.constant 0.000000e+00 : f32
    %max3A_31 = vector.broadcast %max3A : f32 to vector<1000x64xf32>
    %max3A_32 = arith.maximumf %add3A_30, %max3A_31 : vector<1000x64xf32>
    %get3A_33 = arith.constant 0 : index
    %get3A_34 = arith.constant 0 : index
    %get3A_35 = vector.load %arg5[%get3A_33, %get3A_34] : memref<64x32xf32, #tpu.memory_space<vmem>>, vector<64x32xf32>
    %dot_general3A = arith.constant dense<0.000000e+00> : vector<1000x32xf32>
    %dot_general3A_36 = tpu.matmul %max3A_32, %get3A_35, %dot_general3A {dimension_numbers = #tpu.dot_dimension_numbers<[1], [0], [0], [1], [0, 0, 1, 1], [], []>, transpose_lhs_hint = false} : vector<1000x64xf32>, vector<64x32xf32>, vector<1000x32xf32> -> vector<1000x32xf32>
    %get3A_37 = arith.constant 0 : index
    %get3A_38 = arith.constant 0 : index
    %get3A_39 = vector.load %arg6[%get3A_37, %get3A_38] : memref<1x32xf32, #tpu.memory_space<vmem>>, vector<1x32xf32>
    %add3A_40 = vector.broadcast %get3A_39 : vector<1x32xf32> to vector<1000x32xf32>
    %add3A_41 = arith.addf %dot_general3A_36, %add3A_40 : vector<1000x32xf32>
    %max3A_42 = arith.constant 0.000000e+00 : f32
    %max3A_43 = vector.broadcast %max3A_42 : f32 to vector<1000x32xf32>
    %max3A_44 = arith.maximumf %add3A_41, %max3A_43 : vector<1000x32xf32>
    %get3A_45 = arith.constant 0 : index
    %get3A_46 = arith.constant 0 : index
    %get3A_47 = vector.load %arg7[%get3A_45, %get3A_46] : memref<32x1xf32, #tpu.memory_space<vmem>>, vector<32x1xf32>
    %dot_general3A_48 = arith.constant dense<0.000000e+00> : vector<1000x1xf32>
    %dot_general3A_49 = tpu.matmul %max3A_44, %get3A_47, %dot_general3A_48 {dimension_numbers = #tpu.dot_dimension_numbers<[1], [0], [0], [1], [0, 0, 1, 1], [], []>, transpose_lhs_hint = false} : vector<1000x32xf32>, vector<32x1xf32>, vector<1000x1xf32> -> vector<1000x1xf32>
    %get3A_50 = arith.constant 0 : index
    %get3A_51 = arith.constant 0 : index
    %get3A_52 = vector.load %arg8[%get3A_50, %get3A_51] : memref<1x1xf32, #tpu.memory_space<vmem>>, vector<1x1xf32>
    %add3A_53 = vector.broadcast %get3A_52 : vector<1x1xf32> to vector<1000x1xf32>
    %add3A_54 = arith.addf %dot_general3A_49, %add3A_53 : vector<1000x1xf32>
    %swap3A = arith.constant 0 : index
    %swap3A_55 = arith.constant 0 : index
    %swap3A_56 = vector.load %arg9[%swap3A, %swap3A_55] : memref<1000x1xf32, #tpu.memory_space<vmem>>, vector<1000x1xf32>
    tpu.vector_store %arg9[%swap3A, %swap3A_55], %add3A_54 {strides = array<i32>} : memref<1000x1xf32, #tpu.memory_space<vmem>>, vector<1000x1xf32>,
    return
  }
  func.func @transform_0(%arg0: i32) -> (i32, i32, i32) {
    %c0_i32 = arith.constant 0 : i32
    %c0_i32_0 = arith.constant 0 : i32
    %c0_i32_1 = arith.constant 0 : i32
    return %c0_i32, %arg0, %c0_i32_0 : i32, i32, i32
  }
  func.func @transform_1(%arg0: i32) -> (i32, i32) {
    %c0_i32 = arith.constant 0 : i32
    %c0_i32_0 = arith.constant 0 : i32
    return %arg0, %c0_i32 : i32, i32
  }
  func.func @transform_2(%arg0: i32) -> (i32, i32, i32) {
    %c0_i32 = arith.constant 0 : i32
    %c0_i32_0 = arith.constant 0 : i32
    %c0_i32_1 = arith.constant 0 : i32
    return %c0_i32, %arg0, %c0_i32_0 : i32, i32, i32
  }
  func.func @transform_3(%arg0: i32) -> (i32, i32) {
    %c0_i32 = arith.constant 0 : i32
    %c0_i32_0 = arith.constant 0 : i32
    %c0_i32_1 = arith.constant 0 : i32
    return %c0_i32, %c0_i32_0 : i32, i32
  }
  func.func @transform_4(%arg0: i32) -> (i32, i32) {
    %c0_i32 = arith.constant 0 : i32
    %c0_i32_0 = arith.constant 0 : i32
    %c0_i32_1 = arith.constant 0 : i32
    return %c0_i32, %c0_i32_0 : i32, i32
  }
  func.func @transform_5(%arg0: i32) -> (i32, i32) {
    %c0_i32 = arith.constant 0 : i32
    %c0_i32_0 = arith.constant 0 : i32
    %c0_i32_1 = arith.constant 0 : i32
    return %c0_i32, %c0_i32_0 : i32, i32
  }
  func.func @transform_6(%arg0: i32) -> (i32, i32) {
    %c0_i32 = arith.constant 0 : i32
    %c0_i32_0 = arith.constant 0 : i32
    %c0_i32_1 = arith.constant 0 : i32
    return %c0_i32, %c0_i32_0 : i32, i32
  }
  func.func @transform_7(%arg0: i32) -> (i32, i32) {
    %c0_i32 = arith.constant 0 : i32
    %c0_i32_0 = arith.constant 0 : i32
    %c0_i32_1 = arith.constant 0 : i32
    return %c0_i32, %c0_i32_0 : i32, i32
  }
  func.func @transform_8(%arg0: i32) -> (i32, i32) {
    %c0_i32 = arith.constant 0 : i32
    %c0_i32_0 = arith.constant 0 : i32
    return %arg0, %c0_i32 : i32, i32
  }
}

</mosaic_0001>

<sc_bundles>
// kernel: kernel.10.cloned.1.call-start
scs
__scs_entry_jumppad:
0x0: {  	(pc) =	sbr.rel $0x88, $3  }
0x1: {  	(tag) =	ssettag $0x0;
	lr =	simm.s32 $0x1  }
0x2: {  	[smem:$0x3F95] =	sst lr;
	_ =	strace $0xD0000000  }
0x3: {  	_ = 	snop  }
0x4: {  	_ = 	snop  }
0x5: {  	_ = 	snop  }
0x6: {  	_ = 	snop  }
0x7: {  	_ = 	snop  }
__scs_overlays_trampoline_lowered:
0x8: {  	[smem:$0x3FA4] =	sst s0  }
0x9: {  	[smem:$0x3FA5] =	sst s1  }
0xa: {  	[smem:$0x3FA6] =	sst s2  }
0xb: {  	[smem:$0x3FA7] =	sst s3  }
0xc: {  	[smem:$0x3FA8] =	sst s4  }
0xd: {  	[smem:$0x3FA9] =	sst s5  }
0xe: {  	[smem:$0x3FAA] =	sst s6  }
0xf: {  	[smem:$0x3FAB] =	sst s7  }
0x10: {  	[smem:$0x3FAC] =	sst s8  }
0x11: {  	[smem:$0x3FAD] =	sst s9;
	s0 =	simm.s32 @!p0 $0x0  }
0x12: {  	s1 =	sld [smem:$0x3F93];
	s0 =	simm.s32 @p0 $0x1  }
0x13: {  	[smem:$0x3FAE] =	sst s0;
	s0 =	simm.s32 @!p1 $0x0  }
0x14: {  	s2 =	sld [smem:$0x3F92];
	s0 =	simm.s32 @p1 $0x1  }
0x15: {  	[smem:$0x3FAF] =	sst s0;
	s0 =	simm.s32 @!p2 $0x0  }
0x16: {  	s3 =	sld [smem:$0x3FDB];
	s0 =	simm.s32 @p2 $0x1  }
0x17: {  	s4 =	simm.s32 $0x1BF5;
	[smem:$0x3FB1] =	sst s0  }
0x18: {  	s0 =	sld [smem:$0x3F94];
	_ =	swait.ge [sflag:s4], $0x0  }
0x19: {  	s7 =	sld [smem:$0x3F95]  }
0x1a: {  	s8 =	sadd.s32 $0xFFFFE003, lr  }
0x1b: {  	s9 =	sadd.s32 $0xFFFFFEF7, lr;
	s5 =	simm.s32 $0xFFFFFFFF;
	p2 =	slt.u32 s8, $0xFFFFF086  }
0x1c: {  	p1 =	slt.u32 s9, $0xF7A;
	s5 =	simm.s32 @!p2 $0x0  }
0x1d: {  	s5 =	simm.s32 @p1 $0x1;
	p0 =	seq.s32 s7, s2  }
0x1e: {  	s7 =	smul.u32 @!p0 $0xF7A, s2;
	p2 =	seq.s32 @!p0 s5, $0x0  }
0x1f: {  	s9 =	smul.u32 $0xF7A, s1;
	s8 =	simm.s32 @!p0 $0x1BF5;
	p2 =	por !p2, p0  }
0x20: {  	[sflag:s8] =	ssyncset.s32 @!p0 $0xFFFFF086;
	s6 =	sadd.s32 @!p0 s3, s7;
	s7 =	simm.s32 @!p0 $0x108  }
0x21: {  	s3 =	sadd.s32 s3, s9;
	s6 =	sadd.s32 @!p0 $0x88, s6;
	s7 =	simm.s32 @p2 $0x1082  }
0x22: {  	[simem:s7], [sflag:s8] =	dma.local @!p0 [hbm:s6], $0xF7A  }
0x23: {  	s9 =	sor.u32 $0xD0000000, s2;
	s6 =	simm.s32 $0x108;
	_ =	swait.ge @!p0 [sflag:s8], $0x0  }
0x24: {  	s3 =	sadd.s32 $0x88, s3;
	s6 =	simm.s32 @!p1 $0x1082;
	[sflag:s4] =	ssyncset.s32 $0xFFFFF086  }
0x25: {  	[simem:s6], [sflag:s4] =	dma.local [hbm:s3], $0xF7A  }
0x26: {  	[smem:$0x3F95] =	sst s1;
	(tag) =	ssettag s2;
	_ =	strace s9  }
0x27: {  	s1 =	sld [smem:$0x3FA5]  }
0x28: {  	s2 =	sld [smem:$0x3FA6]  }
0x29: {  	s4 =	sld [smem:$0x3FA8]  }
0x2a: {  	p0 =	seq.s32 s5, $0x0;
	s5 =	sld [smem:$0x3FA9]  }
0x2b: {  	s6 =	sld [smem:$0x3FAA]  }
0x2c: {  	s7 =	sld [smem:$0x3FAB]  }
0x2d: {  	s3 =	simm.s32 $0x108;
	s8 =	sld [smem:$0x3FAC]  }
0x2e: {  	s3 =	simm.s32 @!p0 $0x1082;
	s9 =	sld [smem:$0x3FAD]  }
0x2f: {  	lr =	sadd.s32 s0, s3;
	s0 =	sld [smem:$0x3FA4]  }
0x30: {  	s3 =	sld [smem:$0x3FA7]  }
0x31: {  	[smem:$0x3FB0] =	sst s10  }
0x32: {  	s10 =	sld [smem:$0x3FAE];
	_ =	sdelay $0x3  }
0x33: {  	p0 =	seq.s32 s10, $0x1;
	s10 =	sld [smem:$0x3FB0];
	_ =	sdelay $0x3  }
0x34: {  	[smem:$0x3FB0] =	sst s10  }
0x35: {  	s10 =	sld [smem:$0x3FAF];
	_ =	sdelay $0x3  }
0x36: {  	p1 =	seq.s32 s10, $0x1;
	s10 =	sld [smem:$0x3FB0];
	_ =	sdelay $0x3  }
0x37: {  	[smem:$0x3FB0] =	sst s10  }
0x38: {  	s10 =	sld [smem:$0x3FB1]  }
0x39: {  	_ = 	snop;
	(pc) =	sbr.ind lr, $3  }
0x3a: {  	_ = 	snop  }
0x3b: {  	_ = 	snop  }
0x3c: {  	p2 =	seq.s32 s10, $0x1;
	s10 =	sld [smem:$0x3FB0]  }
0x3d: {  	_ =	shalt  }
0x3e: {  	_ =	shalt  }
0x3f: {  	_ =	shalt  }
0x40: {  	_ =	shalt  }
0x41: {  	_ =	shalt  }
0x42: {  	_ =	shalt  }
0x43: {  	_ =	shalt  }
0x44: {  	_ =	shalt  }
0x45: {  	_ =	shalt  }
0x46: {  	_ =	shalt  }
0x47: {  	_ =	shalt  }
0x48: {  	_ =	shalt  }
0x49: {  	_ =	shalt  }
0x4a: {  	_ =	shalt  }
0x4b: {  	_ =	shalt  }
0x4c: {  	_ =	shalt  }
0x4d: {  	_ =	shalt  }
0x4e: {  	_ =	shalt  }
0x4f: {  	_ =	shalt  }
0x50: {  	_ =	shalt  }
0x51: {  	_ =	shalt  }
0x52: {  	_ =	shalt  }
0x53: {  	_ =	shalt  }
0x54: {  	_ =	shalt  }
0x55: {  	_ =	shalt  }
0x56: {  	_ =	shalt  }
0x57: {  	_ =	shalt  }
0x58: {  	_ =	shalt  }
0x59: {  	_ =	shalt  }
0x5a: {  	_ =	shalt  }
0x5b: {  	_ =	shalt  }
0x5c: {  	_ =	shalt  }
0x5d: {  	_ =	shalt  }
0x5e: {  	_ =	shalt  }
0x5f: {  	_ =	shalt  }
0x60: {  	_ =	shalt  }
0x61: {  	_ =	shalt  }
0x62: {  	_ =	shalt  }
0x63: {  	_ =	shalt  }
0x64: {  	_ =	shalt  }
0x65: {  	_ =	shalt  }
0x66: {  	_ =	shalt  }
0x67: {  	_ =	shalt  }
0x68: {  	_ =	shalt  }
0x69: {  	_ =	shalt  }
0x6a: {  	_ =	shalt  }
0x6b: {  	_ =	shalt  }
0x6c: {  	_ =	shalt  }
0x6d: {  	_ =	shalt  }
0x6e: {  	_ =	shalt  }
0x6f: {  	_ =	shalt  }
0x70: {  	_ =	shalt  }
0x71: {  	_ =	shalt  }
0x72: {  	_ =	shalt  }
0x73: {  	_ =	shalt  }
0x74: {  	_ =	shalt  }
0x75: {  	_ =	shalt  }
0x76: {  	_ =	shalt  }
0x77: {  	_ =	shalt  }
0x78: {  	_ =	shalt  }
0x79: {  	_ =	shalt  }
0x7a: {  	_ =	shalt  }
0x7b: {  	_ =	shalt  }
0x7c: {  	_ =	shalt  }
0x7d: {  	_ =	shalt  }
0x7e: {  	_ =	shalt  }
0x7f: {  	_ =	shalt  }
0x80: {  	_ =	shalt  }
0x81: {  	_ =	shalt  }
0x82: {  	_ =	shalt  }
0x83: {  	_ =	shalt  }
0x84: {  	_ =	shalt  }
0x85: {  	_ =	shalt  }
0x86: {  	_ =	shalt  }
0x87: {  	_ =	shalt  }
.Lfunc_end0:
.L_simem_size_0:
called_computation_lowered:
.L_overlay_start_0:
0x88: {  	s2 =	sld [smem:$0x3FD9]  }
0x89: {  	s3 =	sld [smem:$0x3FFE];
	_ =	sdelay $0x1  }
0x8a: {  	s1 =	srdreg.scid  }
0x8b: {  	s0 =	sand.u32 $0x1, s1  }
0x8c: {  	s17 =	sshll.u32 s0, $0xA;
	s2 =	sadd.s32 s3, s2  }
0x8d: {  	s2 =	sadd.s32 s2, s17  }
0x8e: {  	[smem:$0x3FBC] =	sst s2  }
0x8f: {  	_ = 	snop  }
0x90: {  	s2 =	sld [smem:$0x3FD0];
	(tm) =	ssettm $0x1  }
0x91: {  	s18 =	sld [smem:$0x3FFB];
	_ =	sdelay $0x3  }
0x92: {  	_ =	strace s18  }
0x93: {  	s3 =	sld [smem:$0x3FFC];
	_ =	sdelay $0x3  }
0x94: {  	_ =	strace s3  }
0x95: {  	s3 =	sld [smem:$0x3FFD];
	_ =	sdelay $0x3  }
0x96: {  	_ =	strace s3  }
0x97: {  	_ =	strace $0x8FFFFFFF  }
0x98: {  	s19 =	sld [smem:$0x3FDB];
	_ =	sdelay $0x1  }
0x99: {  	s4 =	simm.s32 $_scs_section_size  }
0x9a: {  	s5 =	simm.s32 $_size__tile_overlayer_lowered;
	s6 =	simm.s32 $_tile_overlayer_lowered  }
0x9b: {  	s22 =	simm.s32 $0x1BFF;
	s21 =	sshll.u32 s6, $0x1;
	s3 =	sadd.s32 s4, s19  }
0x9c: {  	s7 =	simm.s32 $0x0;
	s20 =	sshll.u32 s5, $0x1;
	s5 =	sadd.s32 s21, s3  }
0x9d: {  	[timem:s7], [sflag:s22] =	dma.local [hbm:s5], s20  }
0x9e: {  	_ =	swait.ge [sflag:s22], s20  }
0x9f: {  	s4 =	ssub.s32 $0x0, s20;
	[sflag:s22] =	ssyncset.done $0x0  }
0xa0: {  	[sflag:s22] =	ssyncadd.s32 s4;
	_ =	sdelay $0x1  }
0xa1: {  	s23 =	simm.s32 $0x1B8B  }
0xa2: {  	_ =	swait.ge [sflag:s23], $0x1  }
0xa3: {  	[sflag:s23] =	ssyncset.done $0x0  }
0xa4: {  	s25 =	simm.s32 $0x1B8E;
	s24 =	sld [smem:$0x3FFE];
	[sflag:s23] =	ssyncadd.s32 $0xFFFFFFFF  }
0xa5: {  	s26 =	simm.s32 $execute0_lowered;
	[smem:$0x3FD2] =	sst s25  }
0xa6: {  	s5 =	sshll.u32 s26, $0x1;
	_ =	strace $0x80000046;
	[dreg:$0x1] =	wrdreg $0xFFFFFFFF  }
0xa7: {  	s28 =	simm.s32 $_size_execute0_lowered;
	s3 =	sadd.s32 s3, s5;
	[dreg:$0x0] =	wrdreg $0x0  }
0xa8: {  	s5 =	sshll.u32 s28, $0x1;
	[dreg:$0x2] =	wrdreg s3  }
0xa9: {  	[dreg:$0x3] =	wrdreg s5  }
0xaa: {  	[dreg:$0x4] =	wrdreg $0xC0  }
0xab: {  	_ =	task [dreg:s7], $0x5FFFF  }
0xac: {  	[dreg:$0x1] =	wrdreg $0xFFFFFFFF  }
0xad: {  	[dreg:$0x0] =	wrdreg $0x60  }
0xae: {  	[dreg:$0x2] =	wrdreg s24  }
0xaf: {  	[dreg:$0x3] =	wrdreg s2  }
0xb0: {  	[dreg:$0x4] =	wrdreg $0x57000  }
0xb1: {  	[dreg:$0x5] =	wrdreg $0x9  }
0xb2: {  	_ =	task.clear_ibuf [dreg:s7], $0x6FFFF;
	_ =	strace $0x90000046  }
0xb3: {  	s29 =	simm.s32 $0x9;
	_ =	strace $0x80000048  }
0xb4: {  	_ =	swait.ge [sflag:s29], $0x1  }
0xb5: {  	[sflag:s29] =	ssyncadd.s32 $0xFFFFFFFF  }
0xb6: {  	_ =	strace $0x90000048  }
0xb7: {  	_ =	sfence  }
0xb8: {  	s30 =	sld [smem:$0x0];
	_ =	sdelay $0x2  }
0xb9: {  	s31 =	sshll.u32 s1, $0xD;
	s1 =	sshrl.u32 s1, $0x2  }
0xba: {  	s3 =	sand.u32 $0x4000, s31;
	s1 =	sadd.s32 s1, s30  }
0xbb: {  	s0 =	sor.u32 s3, s0;
	s1 =	sshll.u32 s1, $0x11  }
0xbc: {  	s0 =	sor.u32 s1, s0  }
0xbd: {  	s0 =	sadd.s32 $0x8F2B, s0  }
0xbe: {  	[sflag:s0] =	ssyncadd.remote.s32 $0x1  }
0xbf: {  	_ =	sfence.sel $0xFFFF  }
0xc0: {  	[dreg:$0x0] =	wrdreg $0xFFFFFFFF;
	(pc) =	sbr.abs _section_cstart, $3  }
0xc1: {  	[dreg:$0x1] =	wrdreg $0xFFFFFFFF  }
0xc2: {  	_ =	task.clear_ibuf [dreg:s7], $0x2FFFF;
	_ =	strace $0x9FFFFFFF  }
0xc3: {  	(tm) =	ssettm $0x7FFFFFFF  }
tec
execute0_lowered:
.L_overlay_start_1:
0x0: {  	(tag) =	ssettag $0x1  }
0x1: {  	s5 =	rddreg [dreg:$0x0]  }
0x2: {  	s1 =	srdreg.scid;
	s2 =	rddreg [dreg:$0x1]  }
0x3: {  	s0 =	stileid.u32;
	s3 =	rddreg [dreg:$0x2];
	s4 =	simm.s32 $0x0  }
0x4: {  	s13 =	simm.s32 $0x80;
	s14 =	simm.s32 $0x0;
	s6 =	sand.u32 $0x1, s1  }
0x5: {  	s30 =	sshll.u32 s0, $0x1;
	s8 =	smul.u32 $0x2780, s0;
	[smem:$0x7FF] =	sst s4  }
0x6: {  	s31 =	sshll.u32 s0, $0x6;
	s1 =	sor.u32 s6, s30;
	s9 =	smul.u32 $0x27800, s6  }
0x7: {  	s6 =	ssub.s32 $0x2, s6;
	s7 =	smul.u32 $0x9E0, s1;
	s1 =	rddreg [dreg:$0x3]  }
0x8: {  	_ =	strace $0x80000047;
	s10 =	sshrl.u32 s8, $0x3;
	s11 =	sshrl.u32 s6, $0x1  }
0x9: {  	s12 =	sadd.s32 s8, s3;
	s9 =	sadd.s32 s8, s9;
	s10 =	sadd.s32 s10, s5  }
0xa: {  	s11 =	ssub.s32 s6, s11;
	s12 =	sshrl.u32 s12, $0x3;
	s7 =	sadd.s32 s7, s5  }
0xb: {  	s9 =	sshrl.u32 s9, $0x3;
	s6 =	sadd.s32 $0x16E00, s10;
	s8 =	smax.u32 s11, $0x1  }
0xc: {  	s10 =	simm.s32 $0x4F00;
	s11 =	sor.u32 $0x1C01, s31;
	s9 =	sadd.s32 s9, s5  }
0xd: {  	s5 =	sadd.s32 $0x3200, s7;
	s7 =	sadd.s32 $0x1BE00, s9;
	s9 =	simm.s32 $0x1  }
.LBB2_1:
0xe: {  	[tilespmem:s4], [sflag:$0x1] =	stream.linear.gather [hbm4b:s5+s4], $0x4F00, $0x38;
	[tilespmem:$0x7E80] =	vst v63  }
0xf: {  	_ =	swait.ge [sflag:s9], $0x4F00  }
0x10: {  	[sflag:s9] =	ssyncset.done $0x0  }
0x11: {  	[sflag:s9] =	ssyncadd.s32 $0xFFFFB100  }
0x12: {  	[tilespmem:s10], [sflag:$0x1] =	stream.linear.gather [hbm4b:s2+s4], $0x800, $0x38;
	[tilespmem:$0x7E80] =	vst v63  }
0x13: {  	_ =	swait.ge [sflag:s9], $0x800  }
0x14: {  	[sflag:s9] =	ssyncset.done $0x0  }
0x15: {  	[sflag:s9] =	ssyncadd.s32 $0xFFFFF800  }
0x16: {  	[spmem:s12], [sflag:s11] =	dma.local [hbm:s6], $0x4F0  }
0x17: {  	_ =	swait.ge [sflag:s9], $0x4F0  }
0x18: {  	[sflag:s9] =	ssyncset.done $0x0  }
0x19: {  	[sflag:s9] =	ssyncadd.s32 $0xFFFFFB10  }
0x1a: {  	s15 =	simm.s32 $0x0;
	[bflag:$0x0] =	sbarrier.arrive $0xFFFF  }
0x1b: {  	[spmem:s3] =	stream.indirect.scatter.add.f32 [tilespmem:s10], [sflag:$0x1], $0x10, s15, s13, $0xb8;
	[tilespmem:$0x7E80] =	vst v63  }
0x1c: {  	_ =	swait.ge [sflag:s9], $0x800  }
0x1d: {  	s15 =	simm.s32 $0x200;
	[sflag:s9] =	ssyncset.done $0x0  }
.LBB2_2:
0x1e: {  	s16 =	sshra.s32 s15, $0x2;
	[sflag:s9] =	ssyncadd.s32 $0xFFFFF800;
	p0 =	sne.s32 s15, $0x13A00  }
0x1f: {  	[spmem:s3] =	stream.indirect.scatter.add.f32 [tilespmem:s10], [sflag:$0x1], $0x10, s16, s13, $0xb8;
	[tilespmem:$0x7E80] =	vst v63  }
.Ltmp0:
0x20: {  	_ = 	snop;
	(pc) =	sbr.rel @p0 .LBB2_2-.Ltmp0, $4  }
0x21: {  	_ = 	snop  }
0x22: {  	s15 =	sadd.s32 $0x200, s15  }
0x23: {  	_ =	swait.ge [sflag:s9], $0x800  }
0x24: {  	[sflag:s9] =	ssyncset.done $0x0  }
0x25: {  	s14 =	sadd.s32 $0x1, s14  }
0x26: {  	[sflag:s9] =	ssyncadd.s32 $0xFFFFF800;
	p0 =	sne.s32 s14, s8  }
.Ltmp1:
0x27: {  	[bflag:$0x0] =	sbarrier.arrive $0xFFFF;
	(pc) =	sbr.rel @p0 .LBB2_1-.Ltmp1, $4  }
0x28: {  	[hbm:s7], [sflag:s11] =	dma.local [spmem:s12], $0x4F0  }
0x29: {  	_ =	swait.ge [sflag:s9], $0x4F0  }
0x2a: {  	[sflag:s9] =	ssyncset.done $0x0  }
0x2b: {  	[sflag:s9] =	ssyncadd.s32 $0xFFFFFB10  }
0x2c: {  	_ =	sfence.sel $0x180000  }
0x2d: {  	[bflag:$0x0] =	sbarrier.arrive $0xFFFF  }
0x2e: {  	p0 =	sne.s32 s0, $0x0;
	_ =	strace $0x90000047  }
0x2f: {  	s0 =	sadd.s32 @!p0 $0x100000, s1;
	[bflag:$0x2] =	sbarrier.arrive $0xFFFF  }
0x30: {  	[sflag:s0] =	ssyncadd.tile.s32 @!p0 $0x1;
	_ =	shalt  }
.Lfunc_end2:
_tile_overlayer_lowered:
.L_overlay_start_2:
0x31: {  	(tag) =	ssettag $0x2  }
0x32: {  	s0 =	rddreg [dreg:$0x0];
	s2 =	stileid.u32  }
0x33: {  	s1 =	rddreg [dreg:$0x1];
	p0 =	sne.s32 s2, $0x0  }
0x34: {  	s3 =	rddreg [dreg:$0x2];
	[bflag:$0x3] =	sbarrier.arrive $0xFFFF;
	s2 =	simm.s32 @!p0 $0x1C01  }
0x35: {  	[timem:s3], [sflag:s2] =	dma.local @!p0 [hbm:s0], s1  }
0x36: {  	s0 =	simm.s32 @!p0 $0x1  }
0x37: {  	_ =	swait.ge @!p0 [sflag:s0], s1  }
0x38: {  	s1 =	ssub.s32 @!p0 $0x0, s1;
	[sflag:s0] =	ssyncset.done @!p0 $0x0  }
0x39: {  	[sflag:s0] =	ssyncadd.s32 @!p0 s1  }
0x3a: {  	[bflag:$0x3] =	sbarrier.arrive $0xFFFF  }
0x3b: {  	_ =	shalt  }

// kernel: kernel.13.cloned.1.call-start
scs
__scs_entry_jumppad:
0x0: {  	(pc) =	sbr.rel $0x88, $3  }
0x1: {  	(tag) =	ssettag $0x0;
	lr =	simm.s32 $0x1  }
0x2: {  	[smem:$0x3F95] =	sst lr;
	_ =	strace $0xD0000000  }
0x3: {  	_ = 	snop  }
0x4: {  	_ = 	snop  }
0x5: {  	_ = 	snop  }
0x6: {  	_ = 	snop  }
0x7: {  	_ = 	snop  }
__scs_overlays_trampoline_lowered:
0x8: {  	[smem:$0x3FA4] =	sst s0  }
0x9: {  	[smem:$0x3FA5] =	sst s1  }
0xa: {  	[smem:$0x3FA6] =	sst s2  }
0xb: {  	[smem:$0x3FA7] =	sst s3  }
0xc: {  	[smem:$0x3FA8] =	sst s4  }
0xd: {  	[smem:$0x3FA9] =	sst s5  }
0xe: {  	[smem:$0x3FAA] =	sst s6  }
0xf: {  	[smem:$0x3FAB] =	sst s7  }
0x10: {  	[smem:$0x3FAC] =	sst s8  }
0x11: {  	[smem:$0x3FAD] =	sst s9;
	s0 =	simm.s32 @!p0 $0x0  }
0x12: {  	s1 =	sld [smem:$0x3F93];
	s0 =	simm.s32 @p0 $0x1  }
0x13: {  	[smem:$0x3FAE] =	sst s0;
	s0 =	simm.s32 @!p1 $0x0  }
0x14: {  	s2 =	sld [smem:$0x3F92];
	s0 =	simm.s32 @p1 $0x1  }
0x15: {  	[smem:$0x3FAF] =	sst s0;
	s0 =	simm.s32 @!p2 $0x0  }
0x16: {  	s3 =	sld [smem:$0x3FDB];
	s0 =	simm.s32 @p2 $0x1  }
0x17: {  	s4 =	simm.s32 $0x1BF5;
	[smem:$0x3FB1] =	sst s0  }
0x18: {  	s0 =	sld [smem:$0x3F94];
	_ =	swait.ge [sflag:s4], $0x0  }
0x19: {  	s7 =	sld [smem:$0x3F95]  }
0x1a: {  	s8 =	sadd.s32 $0xFFFFE003, lr  }
0x1b: {  	s9 =	sadd.s32 $0xFFFFFEF7, lr;
	s5 =	simm.s32 $0xFFFFFFFF;
	p2 =	slt.u32 s8, $0xFFFFF086  }
0x1c: {  	p1 =	slt.u32 s9, $0xF7A;
	s5 =	simm.s32 @!p2 $0x0  }
0x1d: {  	s5 =	simm.s32 @p1 $0x1;
	p0 =	seq.s32 s7, s2  }
0x1e: {  	s7 =	smul.u32 @!p0 $0xF7A, s2;
	p2 =	seq.s32 @!p0 s5, $0x0  }
0x1f: {  	s9 =	smul.u32 $0xF7A, s1;
	s8 =	simm.s32 @!p0 $0x1BF5;
	p2 =	por !p2, p0  }
0x20: {  	[sflag:s8] =	ssyncset.s32 @!p0 $0xFFFFF086;
	s6 =	sadd.s32 @!p0 s3, s7;
	s7 =	simm.s32 @!p0 $0x108  }
0x21: {  	s3 =	sadd.s32 s3, s9;
	s6 =	sadd.s32 @!p0 $0x88, s6;
	s7 =	simm.s32 @p2 $0x1082  }
0x22: {  	[simem:s7], [sflag:s8] =	dma.local @!p0 [hbm:s6], $0xF7A  }
0x23: {  	s9 =	sor.u32 $0xD0000000, s2;
	s6 =	simm.s32 $0x108;
	_ =	swait.ge @!p0 [sflag:s8], $0x0  }
0x24: {  	s3 =	sadd.s32 $0x88, s3;
	s6 =	simm.s32 @!p1 $0x1082;
	[sflag:s4] =	ssyncset.s32 $0xFFFFF086  }
0x25: {  	[simem:s6], [sflag:s4] =	dma.local [hbm:s3], $0xF7A  }
0x26: {  	[smem:$0x3F95] =	sst s1;
	(tag) =	ssettag s2;
	_ =	strace s9  }
0x27: {  	s1 =	sld [smem:$0x3FA5]  }
0x28: {  	s2 =	sld [smem:$0x3FA6]  }
0x29: {  	s4 =	sld [smem:$0x3FA8]  }
0x2a: {  	p0 =	seq.s32 s5, $0x0;
	s5 =	sld [smem:$0x3FA9]  }
0x2b: {  	s6 =	sld [smem:$0x3FAA]  }
0x2c: {  	s7 =	sld [smem:$0x3FAB]  }
0x2d: {  	s3 =	simm.s32 $0x108;
	s8 =	sld [smem:$0x3FAC]  }
0x2e: {  	s3 =	simm.s32 @!p0 $0x1082;
	s9 =	sld [smem:$0x3FAD]  }
0x2f: {  	lr =	sadd.s32 s0, s3;
	s0 =	sld [smem:$0x3FA4]  }
0x30: {  	s3 =	sld [smem:$0x3FA7]  }
0x31: {  	[smem:$0x3FB0] =	sst s10  }
0x32: {  	s10 =	sld [smem:$0x3FAE];
	_ =	sdelay $0x3  }
0x33: {  	p0 =	seq.s32 s10, $0x1;
	s10 =	sld [smem:$0x3FB0];
	_ =	sdelay $0x3  }
0x34: {  	[smem:$0x3FB0] =	sst s10  }
0x35: {  	s10 =	sld [smem:$0x3FAF];
	_ =	sdelay $0x3  }
0x36: {  	p1 =	seq.s32 s10, $0x1;
	s10 =	sld [smem:$0x3FB0];
	_ =	sdelay $0x3  }
0x37: {  	[smem:$0x3FB0] =	sst s10  }
0x38: {  	s10 =	sld [smem:$0x3FB1]  }
0x39: {  	_ = 	snop;
	(pc) =	sbr.ind lr, $3  }
0x3a: {  	_ = 	snop  }
0x3b: {  	_ = 	snop  }
0x3c: {  	p2 =	seq.s32 s10, $0x1;
	s10 =	sld [smem:$0x3FB0]  }
0x3d: {  	_ =	shalt  }
0x3e: {  	_ =	shalt  }
0x3f: {  	_ =	shalt  }
0x40: {  	_ =	shalt  }
0x41: {  	_ =	shalt  }
0x42: {  	_ =	shalt  }
0x43: {  	_ =	shalt  }
0x44: {  	_ =	shalt  }
0x45: {  	_ =	shalt  }
0x46: {  	_ =	shalt  }
0x47: {  	_ =	shalt  }
0x48: {  	_ =	shalt  }
0x49: {  	_ =	shalt  }
0x4a: {  	_ =	shalt  }
0x4b: {  	_ =	shalt  }
0x4c: {  	_ =	shalt  }
0x4d: {  	_ =	shalt  }
0x4e: {  	_ =	shalt  }
0x4f: {  	_ =	shalt  }
0x50: {  	_ =	shalt  }
0x51: {  	_ =	shalt  }
0x52: {  	_ =	shalt  }
0x53: {  	_ =	shalt  }
0x54: {  	_ =	shalt  }
0x55: {  	_ =	shalt  }
0x56: {  	_ =	shalt  }
0x57: {  	_ =	shalt  }
0x58: {  	_ =	shalt  }
0x59: {  	_ =	shalt  }
0x5a: {  	_ =	shalt  }
0x5b: {  	_ =	shalt  }
0x5c: {  	_ =	shalt  }
0x5d: {  	_ =	shalt  }
0x5e: {  	_ =	shalt  }
0x5f: {  	_ =	shalt  }
0x60: {  	_ =	shalt  }
0x61: {  	_ =	shalt  }
0x62: {  	_ =	shalt  }
0x63: {  	_ =	shalt  }
0x64: {  	_ =	shalt  }
0x65: {  	_ =	shalt  }
0x66: {  	_ =	shalt  }
0x67: {  	_ =	shalt  }
0x68: {  	_ =	shalt  }
0x69: {  	_ =	shalt  }
0x6a: {  	_ =	shalt  }
0x6b: {  	_ =	shalt  }
0x6c: {  	_ =	shalt  }
0x6d: {  	_ =	shalt  }
0x6e: {  	_ =	shalt  }
0x6f: {  	_ =	shalt  }
0x70: {  	_ =	shalt  }
0x71: {  	_ =	shalt  }
0x72: {  	_ =	shalt  }
0x73: {  	_ =	shalt  }
0x74: {  	_ =	shalt  }
0x75: {  	_ =	shalt  }
0x76: {  	_ =	shalt  }
0x77: {  	_ =	shalt  }
0x78: {  	_ =	shalt  }
0x79: {  	_ =	shalt  }
0x7a: {  	_ =	shalt  }
0x7b: {  	_ =	shalt  }
0x7c: {  	_ =	shalt  }
0x7d: {  	_ =	shalt  }
0x7e: {  	_ =	shalt  }
0x7f: {  	_ =	shalt  }
0x80: {  	_ =	shalt  }
0x81: {  	_ =	shalt  }
0x82: {  	_ =	shalt  }
0x83: {  	_ =	shalt  }
0x84: {  	_ =	shalt  }
0x85: {  	_ =	shalt  }
0x86: {  	_ =	shalt  }
0x87: {  	_ =	shalt  }
.Lfunc_end0:
.L_simem_size_0:
called_computation.1_lowered:
.L_overlay_start_0:
0x88: {  	s2 =	sld [smem:$0x3FD9]  }
0x89: {  	s3 =	sld [smem:$0x3FFE];
	_ =	sdelay $0x1  }
0x8a: {  	s1 =	srdreg.scid  }
0x8b: {  	s0 =	sand.u32 $0x1, s1  }
0x8c: {  	s16 =	sshll.u32 s0, $0xA;
	s2 =	sadd.s32 s3, s2  }
0x8d: {  	s2 =	sadd.s32 s2, s16  }
0x8e: {  	[smem:$0x3FBC] =	sst s2  }
0x8f: {  	_ = 	snop  }
0x90: {  	(tm) =	ssettm $0x1  }
0x91: {  	s17 =	sld [smem:$0x3FFB];
	_ =	sdelay $0x3  }
0x92: {  	_ =	strace s17  }
0x93: {  	s2 =	sld [smem:$0x3FFC];
	_ =	sdelay $0x3  }
0x94: {  	_ =	strace s2  }
0x95: {  	s2 =	sld [smem:$0x3FFD];
	_ =	sdelay $0x3  }
0x96: {  	_ =	strace s2  }
0x97: {  	_ =	strace $0x8FFFFFFF  }
0x98: {  	s18 =	sld [smem:$0x3FDB];
	_ =	sdelay $0x1  }
0x99: {  	s19 =	simm.s32 $_scs_section_size  }
0x9a: {  	s4 =	simm.s32 $_size__tile_overlayer_lowered;
	s5 =	simm.s32 $_tile_overlayer_lowered  }
0x9b: {  	s22 =	simm.s32 $0x1BFF;
	s21 =	sshll.u32 s5, $0x1;
	s2 =	sadd.s32 s19, s18  }
0x9c: {  	s6 =	simm.s32 $0x0;
	s20 =	sshll.u32 s4, $0x1;
	s4 =	sadd.s32 s21, s2  }
0x9d: {  	[timem:s6], [sflag:s22] =	dma.local [hbm:s4], s20  }
0x9e: {  	_ =	swait.ge [sflag:s22], s20  }
0x9f: {  	s3 =	ssub.s32 $0x0, s20;
	[sflag:s22] =	ssyncset.done $0x0  }
0xa0: {  	[sflag:s22] =	ssyncadd.s32 s3;
	_ =	sdelay $0x1  }
0xa1: {  	s23 =	simm.s32 $0x1B8B  }
0xa2: {  	_ =	swait.ge [sflag:s23], $0x1  }
0xa3: {  	[sflag:s23] =	ssyncset.done $0x0  }
0xa4: {  	s25 =	simm.s32 $0x1B8E;
	s24 =	sld [smem:$0x3FFE];
	[sflag:s23] =	ssyncadd.s32 $0xFFFFFFFF  }
0xa5: {  	s26 =	simm.s32 $execute0_lowered;
	[smem:$0x3FD2] =	sst s25  }
0xa6: {  	s4 =	sshll.u32 s26, $0x1;
	_ =	strace $0x80000049;
	[dreg:$0x1] =	wrdreg $0xFFFFFFFF  }
0xa7: {  	s28 =	simm.s32 $_size_execute0_lowered;
	s2 =	sadd.s32 s2, s4;
	[dreg:$0x0] =	wrdreg $0x0  }
0xa8: {  	s4 =	sshll.u32 s28, $0x1;
	[dreg:$0x2] =	wrdreg s2  }
0xa9: {  	[dreg:$0x3] =	wrdreg s4  }
0xaa: {  	[dreg:$0x4] =	wrdreg $0xC0  }
0xab: {  	_ =	task [dreg:s6], $0x5FFFF  }
0xac: {  	[dreg:$0x1] =	wrdreg $0xFFFFFFFF  }
0xad: {  	[dreg:$0x0] =	wrdreg $0x60  }
0xae: {  	[dreg:$0x2] =	wrdreg s24  }
0xaf: {  	[dreg:$0x3] =	wrdreg $0xDE000  }
0xb0: {  	[dreg:$0x4] =	wrdreg $0x9  }
0xb1: {  	_ =	task.clear_ibuf [dreg:s6], $0x5FFFF;
	_ =	strace $0x90000049  }
0xb2: {  	s29 =	simm.s32 $0x9;
	_ =	strace $0x8000004B  }
0xb3: {  	_ =	swait.ge [sflag:s29], $0x1  }
0xb4: {  	[sflag:s29] =	ssyncadd.s32 $0xFFFFFFFF  }
0xb5: {  	_ =	strace $0x9000004B  }
0xb6: {  	_ =	sfence  }
0xb7: {  	s30 =	sld [smem:$0x0];
	_ =	sdelay $0x2  }
0xb8: {  	s31 =	sshll.u32 s1, $0xD;
	s1 =	sshrl.u32 s1, $0x2  }
0xb9: {  	s3 =	sand.u32 $0x4000, s31;
	s1 =	sadd.s32 s1, s30  }
0xba: {  	s0 =	sor.u32 s3, s0;
	s1 =	sshll.u32 s1, $0x11  }
0xbb: {  	s0 =	sor.u32 s1, s0  }
0xbc: {  	s0 =	sadd.s32 $0x8F2B, s0  }
0xbd: {  	[sflag:s0] =	ssyncadd.remote.s32 $0x1  }
0xbe: {  	_ =	sfence.sel $0xFFFF  }
0xbf: {  	[dreg:$0x0] =	wrdreg $0xFFFFFFFF;
	(pc) =	sbr.abs _section_cstart, $3  }
0xc0: {  	[dreg:$0x1] =	wrdreg $0xFFFFFFFF  }
0xc1: {  	_ =	task.clear_ibuf [dreg:s6], $0x2FFFF;
	_ =	strace $0x9FFFFFFF  }
0xc2: {  	(tm) =	ssettm $0x7FFFFFFF  }
0xc3: {  	_ =	shalt  }
tec
execute0_lowered:
.L_overlay_start_1:
0x0: {  	(tag) =	ssettag $0x1  }
0x1: {  	s1 =	srdreg.scid;
	s6 =	rddreg [dreg:$0x0]  }
0x2: {  	s0 =	stileid.u32;
	s2 =	rddreg [dreg:$0x1];
	s3 =	simm.s32 $0x0  }
0x3: {  	s14 =	simm.s32 $0x80;
	s15 =	simm.s32 $0x9E00;
	s16 =	simm.s32 $0xBE00  }
0x4: {  	s17 =	simm.s32 $0x1;
	s18 =	simm.s32 $0x2;
	s19 =	simm.s32 $0x4E80  }
0x5: {  	s20 =	simm.s32 $0x9D00;
	s21 =	simm.s32 $0x9D80;
	s22 =	simm.s32 $0x0  }
0x6: {  	s5 =	sand.u32 $0x1, s1;
	s30 =	sshll.u32 s0, $0x1;
	s8 =	smul.u32 $0x9E00, s0  }
0x7: {  	[smem:$0x7FF] =	sst s3;
	s4 =	sadd.s32 $0xAFA00, s6;
	s12 =	sshll.u32 s0, $0x6  }
0x8: {  	s1 =	sor.u32 s5, s30;
	s9 =	smul.u32 $0x9E000, s5;
	s5 =	ssub.s32 $0x2, s5  }
0x9: {  	s12 =	sor.u32 $0x1C03, s12;
	s7 =	smul.u32 $0x9E0, s1;
	s1 =	rddreg [dreg:$0x2]  }
0xa: {  	_ =	strace $0x8000004A;
	s10 =	sshrl.u32 s8, $0x3;
	s31 =	sshrl.u32 s5, $0x1  }
0xb: {  	s13 =	sadd.s32 s8, s2;
	s9 =	sadd.s32 s8, s9;
	s10 =	sadd.s32 s10, s6  }
0xc: {  	s11 =	ssub.s32 s5, s31;
	s7 =	sadd.s32 s7, s6;
	s9 =	sshrl.u32 s9, $0x3  }
0xd: {  	s13 =	sshrl.u32 s13, $0x3;
	s9 =	sadd.s32 s9, s6;
	s5 =	sadd.s32 $0x25C00, s7  }
0xe: {  	s6 =	sadd.s32 $0x3200, s7;
	s7 =	sadd.s32 $0xC3400, s10;
	s10 =	simm.s32 $0x3  }
0xf: {  	s8 =	sadd.s32 $0xD7000, s9;
	s9 =	smax.u32 s11, $0x1;
	s11 =	simm.s32 $0x4F00  }
.LBB2_1:
0x10: {  	[tilespmem:s3], [sflag:$0x3] =	stream.linear.gather [hbm4b:s5+s3], $0x4F00, $0x38;
	[tilespmem:$0x17C00] =	vst v63  }
0x11: {  	_ =	swait.ge [sflag:s10], $0x4F00  }
0x12: {  	[sflag:s10] =	ssyncset.done $0x0  }
0x13: {  	[sflag:s10] =	ssyncadd.s32 $0xFFFFB100  }
0x14: {  	[tilespmem:s11], [sflag:$0x3] =	stream.linear.gather [hbm4b:s6+s3], $0x4F00, $0x38;
	[tilespmem:$0x17C00] =	vst v63  }
0x15: {  	_ =	swait.ge [sflag:s10], $0x4F00  }
0x16: {  	[sflag:s10] =	ssyncset.done $0x0  }
0x17: {  	[sflag:s10] =	ssyncadd.s32 $0xFFFFB100  }
0x18: {  	[spmem:s13], [sflag:s12] =	dma.local [hbm:s7], $0x13C0  }
0x19: {  	_ =	swait.ge [sflag:s10], $0x13C0  }
0x1a: {  	[sflag:s10] =	ssyncset.done $0x0  }
0x1b: {  	[sflag:s10] =	ssyncadd.s32 $0xFFFFEC40  }
0x1c: {  	[bflag:$0x0] =	sbarrier.arrive $0xFFFF  }
0x1d: {  	[tilespmem:s15], [sflag:$0x1] =	stream.indirect.gather [hbm4b:s4+s14], $0x40, s3, s14, $0xb8;
	[tilespmem:$0x17C00] =	vst v63  }
0x1e: {  	s23 =	simm.s32 $0x80  }
0x1f: {  	[tilespmem:s16], [sflag:$0x2] =	stream.indirect.gather [hbm4b:s4+s14], $0x40, s23, s14, $0xb8;
	[tilespmem:$0x17C00] =	vst v63  }
0x20: {  	_ =	swait.ge [sflag:s17], $0x2000  }
0x21: {  	[sflag:s17] =	ssyncset.done $0x0  }
0x22: {  	s29 =	simm.s32 $0x4F00;
	[sflag:s17] =	ssyncadd.s32 $0xFFFFE000  }
0x23: {  	[spmem:s2] =	stream.indirect.scatter.add.f32 [tilespmem:s15], [sflag:$0x3], $0x40, s29, s14, $0xb8;
	[tilespmem:$0x17C00] =	vst v63  }
0x24: {  	_ =	swait.ge [sflag:s10], $0x2000  }
0x25: {  	[sflag:s10] =	ssyncset.done $0x0  }
0x26: {  	s30 =	simm.s32 $0x100;
	[sflag:s10] =	ssyncadd.s32 $0xFFFFE000  }
0x27: {  	[tilespmem:s15], [sflag:$0x1] =	stream.indirect.gather [hbm4b:s4+s14], $0x40, s30, s14, $0xb8;
	[tilespmem:$0x17C00] =	vst v63  }
0x28: {  	_ =	swait.ge [sflag:s18], $0x2000  }
0x29: {  	[sflag:s18] =	ssyncset.done $0x0  }
0x2a: {  	s31 =	simm.s32 $0x4F80;
	[sflag:s18] =	ssyncadd.s32 $0xFFFFE000  }
0x2b: {  	[spmem:s2] =	stream.indirect.scatter.add.f32 [tilespmem:s16], [sflag:$0x3], $0x40, s31, s14, $0xb8;
	[tilespmem:$0x17C00] =	vst v63  }
0x2c: {  	_ =	swait.ge [sflag:s10], $0x2000  }
0x2d: {  	s24 =	simm.s32 $0x800;
	s23 =	simm.s32 $0x100;
	[sflag:s10] =	ssyncset.done $0x0  }
.LBB2_2:
0x2e: {  	s25 =	sadd.s32 $0x80, s23  }
0x2f: {  	[sflag:s10] =	ssyncadd.s32 $0xFFFFE000;
	s26 =	smov.u32 s24;
	s28 =	sadd.s32 $0x400, s24  }
0x30: {  	[tilespmem:s16], [sflag:$0x2] =	stream.indirect.gather [hbm4b:s4+s14], $0x40, s25, s14, $0xb8;
	[tilespmem:$0x17C00] =	vst v63  }
0x31: {  	p0 =	sne.s32 s24, $0x13400;
	_ =	swait.ge [sflag:s17], $0x2000  }
0x32: {  	[sflag:s17] =	ssyncset.done $0x0  }
0x33: {  	s24 =	sadd.s32 $0x4F00, s23;
	[sflag:s17] =	ssyncadd.s32 $0xFFFFE000  }
0x34: {  	[spmem:s2] =	stream.indirect.scatter.add.f32 [tilespmem:s15], [sflag:$0x3], $0x40, s24, s14, $0xb8;
	[tilespmem:$0x17C00] =	vst v63  }
0x35: {  	_ =	swait.ge [sflag:s10], $0x2000  }
0x36: {  	[sflag:s10] =	ssyncset.done $0x0  }
0x37: {  	s24 =	sadd.s32 $0x100, s23;
	[sflag:s10] =	ssyncadd.s32 $0xFFFFE000  }
0x38: {  	[tilespmem:s15], [sflag:$0x1] =	stream.indirect.gather [hbm4b:s4+s14], $0x40, s24, s14, $0xb8;
	[tilespmem:$0x17C00] =	vst v63  }
0x39: {  	_ =	swait.ge [sflag:s18], $0x2000  }
.Ltmp0:
0x3a: {  	[sflag:s18] =	ssyncset.done $0x0;
	(pc) =	sbr.rel @p0 .LBB2_2-.Ltmp0, $4  }
0x3b: {  	s23 =	sadd.s32 $0x4F80, s23;
	[sflag:s18] =	ssyncadd.s32 $0xFFFFE000  }
0x3c: {  	[spmem:s2] =	stream.indirect.scatter.add.f32 [tilespmem:s16], [sflag:$0x3], $0x40, s23, s14, $0xb8;
	[tilespmem:$0x17C00] =	vst v63  }
0x3d: {  	_ =	swait.ge [sflag:s10], $0x2000  }
0x3e: {  	s24 =	smov.u32 s28;
	s23 =	sshra.s32 s26, $0x2;
	[sflag:s10] =	ssyncset.done $0x0  }
0x3f: {  	s24 =	sadd.s32 $0x80, s23;
	[sflag:s10] =	ssyncadd.s32 $0xFFFFE000  }
0x40: {  	[tilespmem:s16], [sflag:$0x2] =	stream.indirect.gather [hbm4b:s4+s14], $0x40, s24, s14, $0xb8;
	[tilespmem:$0x17C00] =	vst v63  }
0x41: {  	_ =	swait.ge [sflag:s17], $0x2000  }
0x42: {  	[sflag:s17] =	ssyncset.done $0x0  }
0x43: {  	s29 =	sadd.s32 $0x4F00, s23;
	[sflag:s17] =	ssyncadd.s32 $0xFFFFE000  }
0x44: {  	[spmem:s2] =	stream.indirect.scatter.add.f32 [tilespmem:s15], [sflag:$0x3], $0x40, s29, s14, $0xb8;
	[tilespmem:$0x17C00] =	vst v63  }
0x45: {  	_ =	swait.ge [sflag:s10], $0x2000  }
0x46: {  	[sflag:s10] =	ssyncset.done $0x0  }
0x47: {  	s30 =	sadd.s32 $0x100, s23;
	[sflag:s10] =	ssyncadd.s32 $0xFFFFE000  }
0x48: {  	[tilespmem:s15], [sflag:$0x1] =	stream.indirect.gather [hbm4b:s4+s14], $0x40, s30, s14, $0xb8;
	[tilespmem:$0x17C00] =	vst v63  }
0x49: {  	_ =	swait.ge [sflag:s18], $0x2000  }
0x4a: {  	[sflag:s18] =	ssyncset.done $0x0  }
0x4b: {  	s31 =	sadd.s32 $0x4F80, s23;
	[sflag:s18] =	ssyncadd.s32 $0xFFFFE000  }
0x4c: {  	[spmem:s2] =	stream.indirect.scatter.add.f32 [tilespmem:s16], [sflag:$0x3], $0x40, s31, s14, $0xb8;
	[tilespmem:$0x17C00] =	vst v63  }
0x4d: {  	_ =	swait.ge [sflag:s10], $0x2000  }
0x4e: {  	[sflag:s10] =	ssyncset.done $0x0  }
0x4f: {  	[sflag:s10] =	ssyncadd.s32 $0xFFFFE000  }
0x50: {  	[tilespmem:s16], [sflag:$0x2] =	stream.indirect.gather [hbm4b:s4+s14], $0x40, s19, s14, $0xb8;
	[tilespmem:$0x17C00] =	vst v63  }
0x51: {  	_ =	swait.ge [sflag:s17], $0x2000  }
0x52: {  	[sflag:s17] =	ssyncset.done $0x0  }
0x53: {  	[sflag:s17] =	ssyncadd.s32 $0xFFFFE000  }
0x54: {  	[spmem:s2] =	stream.indirect.scatter.add.f32 [tilespmem:s15], [sflag:$0x3], $0x40, s20, s14, $0xb8;
	[tilespmem:$0x17C00] =	vst v63  }
0x55: {  	_ =	swait.ge [sflag:s10], $0x2000  }
0x56: {  	[sflag:s10] =	ssyncset.done $0x0  }
0x57: {  	[sflag:s10] =	ssyncadd.s32 $0xFFFFE000  }
0x58: {  	_ =	swait.ge [sflag:s18], $0x2000  }
0x59: {  	[sflag:s18] =	ssyncset.done $0x0  }
0x5a: {  	[sflag:s18] =	ssyncadd.s32 $0xFFFFE000  }
0x5b: {  	[spmem:s2] =	stream.indirect.scatter.add.f32 [tilespmem:s16], [sflag:$0x3], $0x40, s21, s14, $0xb8;
	[tilespmem:$0x17C00] =	vst v63  }
0x5c: {  	_ =	swait.ge [sflag:s10], $0x2000  }
0x5d: {  	s22 =	sadd.s32 $0x1, s22;
	[sflag:s10] =	ssyncset.done $0x0  }
0x5e: {  	p0 =	sne.s32 s22, s9;
	[sflag:s10] =	ssyncadd.s32 $0xFFFFE000  }
.Ltmp1:
0x5f: {  	[bflag:$0x0] =	sbarrier.arrive $0xFFFF;
	(pc) =	sbr.rel @p0 .LBB2_1-.Ltmp1, $4  }
0x60: {  	[hbm:s8], [sflag:s12] =	dma.local [spmem:s13], $0x13C0  }
0x61: {  	_ =	swait.ge [sflag:s10], $0x13C0  }
0x62: {  	[sflag:s10] =	ssyncset.done $0x0  }
0x63: {  	[sflag:s10] =	ssyncadd.s32 $0xFFFFEC40  }
0x64: {  	_ =	sfence.sel $0x180000  }
0x65: {  	[bflag:$0x0] =	sbarrier.arrive $0xFFFF  }
0x66: {  	p0 =	sne.s32 s0, $0x0;
	_ =	strace $0x9000004A  }
0x67: {  	s0 =	sadd.s32 @!p0 $0x100000, s1;
	[bflag:$0x2] =	sbarrier.arrive $0xFFFF  }
0x68: {  	[sflag:s0] =	ssyncadd.tile.s32 @!p0 $0x1;
	_ =	shalt  }
.Lfunc_end2:
_tile_overlayer_lowered:
.L_overlay_start_2:
0x69: {  	(tag) =	ssettag $0x2  }
0x6a: {  	s0 =	rddreg [dreg:$0x0];
	s2 =	stileid.u32  }
0x6b: {  	s1 =	rddreg [dreg:$0x1];
	p0 =	sne.s32 s2, $0x0  }
0x6c: {  	s3 =	rddreg [dreg:$0x2];
	[bflag:$0x3] =	sbarrier.arrive $0xFFFF;
	s2 =	simm.s32 @!p0 $0x1C03  }
0x6d: {  	[timem:s3], [sflag:s2] =	dma.local @!p0 [hbm:s0], s1  }
0x6e: {  	s0 =	simm.s32 @!p0 $0x3  }
0x6f: {  	_ =	swait.ge @!p0 [sflag:s0], s1  }
0x70: {  	s1 =	ssub.s32 @!p0 $0x0, s1;
	[sflag:s0] =	ssyncset.done @!p0 $0x0  }
0x71: {  	[sflag:s0] =	ssyncadd.s32 @!p0 s1  }
0x72: {  	[bflag:$0x3] =	sbarrier.arrive $0xFFFF  }
0x73: {  	_ =	shalt  }

// kernel: kernel.16.cloned.1.call-start
scs
__scs_entry_jumppad:
0x0: {  	(pc) =	sbr.rel $0x88, $3  }
0x1: {  	(tag) =	ssettag $0x0;
	lr =	simm.s32 $0x1  }
0x2: {  	[smem:$0x3F95] =	sst lr;
	_ =	strace $0xD0000000  }
0x3: {  	_ = 	snop  }
0x4: {  	_ = 	snop  }
0x5: {  	_ = 	snop  }
0x6: {  	_ = 	snop  }
0x7: {  	_ = 	snop  }
__scs_overlays_trampoline_lowered:
0x8: {  	[smem:$0x3FA4] =	sst s0  }
0x9: {  	[smem:$0x3FA5] =	sst s1  }
0xa: {  	[smem:$0x3FA6] =	sst s2  }
0xb: {  	[smem:$0x3FA7] =	sst s3  }
0xc: {  	[smem:$0x3FA8] =	sst s4  }
0xd: {  	[smem:$0x3FA9] =	sst s5  }
0xe: {  	[smem:$0x3FAA] =	sst s6  }
0xf: {  	[smem:$0x3FAB] =	sst s7  }
0x10: {  	[smem:$0x3FAC] =	sst s8  }
0x11: {  	[smem:$0x3FAD] =	sst s9;
	s0 =	simm.s32 @!p0 $0x0  }
0x12: {  	s1 =	sld [smem:$0x3F93];
	s0 =	simm.s32 @p0 $0x1  }
0x13: {  	[smem:$0x3FAE] =	sst s0;
	s0 =	simm.s32 @!p1 $0x0  }
0x14: {  	s2 =	sld [smem:$0x3F92];
	s0 =	simm.s32 @p1 $0x1  }
0x15: {  	[smem:$0x3FAF] =	sst s0;
	s0 =	simm.s32 @!p2 $0x0  }
0x16: {  	s3 =	sld [smem:$0x3FDB];
	s0 =	simm.s32 @p2 $0x1  }
0x17: {  	s4 =	simm.s32 $0x1BF5;
	[smem:$0x3FB1] =	sst s0  }
0x18: {  	s0 =	sld [smem:$0x3F94];
	_ =	swait.ge [sflag:s4], $0x0  }
0x19: {  	s7 =	sld [smem:$0x3F95]  }
0x1a: {  	s8 =	sadd.s32 $0xFFFFE003, lr  }
0x1b: {  	s9 =	sadd.s32 $0xFFFFFEF7, lr;
	s5 =	simm.s32 $0xFFFFFFFF;
	p2 =	slt.u32 s8, $0xFFFFF086  }
0x1c: {  	p1 =	slt.u32 s9, $0xF7A;
	s5 =	simm.s32 @!p2 $0x0  }
0x1d: {  	s5 =	simm.s32 @p1 $0x1;
	p0 =	seq.s32 s7, s2  }
0x1e: {  	s7 =	smul.u32 @!p0 $0xF7A, s2;
	p2 =	seq.s32 @!p0 s5, $0x0  }
0x1f: {  	s9 =	smul.u32 $0xF7A, s1;
	s8 =	simm.s32 @!p0 $0x1BF5;
	p2 =	por !p2, p0  }
0x20: {  	[sflag:s8] =	ssyncset.s32 @!p0 $0xFFFFF086;
	s6 =	sadd.s32 @!p0 s3, s7;
	s7 =	simm.s32 @!p0 $0x108  }
0x21: {  	s3 =	sadd.s32 s3, s9;
	s6 =	sadd.s32 @!p0 $0x88, s6;
	s7 =	simm.s32 @p2 $0x1082  }
0x22: {  	[simem:s7], [sflag:s8] =	dma.local @!p0 [hbm:s6], $0xF7A  }
0x23: {  	s9 =	sor.u32 $0xD0000000, s2;
	s6 =	simm.s32 $0x108;
	_ =	swait.ge @!p0 [sflag:s8], $0x0  }
0x24: {  	s3 =	sadd.s32 $0x88, s3;
	s6 =	simm.s32 @!p1 $0x1082;
	[sflag:s4] =	ssyncset.s32 $0xFFFFF086  }
0x25: {  	[simem:s6], [sflag:s4] =	dma.local [hbm:s3], $0xF7A  }
0x26: {  	[smem:$0x3F95] =	sst s1;
	(tag) =	ssettag s2;
	_ =	strace s9  }
0x27: {  	s1 =	sld [smem:$0x3FA5]  }
0x28: {  	s2 =	sld [smem:$0x3FA6]  }
0x29: {  	s4 =	sld [smem:$0x3FA8]  }
0x2a: {  	p0 =	seq.s32 s5, $0x0;
	s5 =	sld [smem:$0x3FA9]  }
0x2b: {  	s6 =	sld [smem:$0x3FAA]  }
0x2c: {  	s7 =	sld [smem:$0x3FAB]  }
0x2d: {  	s3 =	simm.s32 $0x108;
	s8 =	sld [smem:$0x3FAC]  }
0x2e: {  	s3 =	simm.s32 @!p0 $0x1082;
	s9 =	sld [smem:$0x3FAD]  }
0x2f: {  	lr =	sadd.s32 s0, s3;
	s0 =	sld [smem:$0x3FA4]  }
0x30: {  	s3 =	sld [smem:$0x3FA7]  }
0x31: {  	[smem:$0x3FB0] =	sst s10  }
0x32: {  	s10 =	sld [smem:$0x3FAE];
	_ =	sdelay $0x3  }
0x33: {  	p0 =	seq.s32 s10, $0x1;
	s10 =	sld [smem:$0x3FB0];
	_ =	sdelay $0x3  }
0x34: {  	[smem:$0x3FB0] =	sst s10  }
0x35: {  	s10 =	sld [smem:$0x3FAF];
	_ =	sdelay $0x3  }
0x36: {  	p1 =	seq.s32 s10, $0x1;
	s10 =	sld [smem:$0x3FB0];
	_ =	sdelay $0x3  }
0x37: {  	[smem:$0x3FB0] =	sst s10  }
0x38: {  	s10 =	sld [smem:$0x3FB1]  }
0x39: {  	_ = 	snop;
	(pc) =	sbr.ind lr, $3  }
0x3a: {  	_ = 	snop  }
0x3b: {  	_ = 	snop  }
0x3c: {  	p2 =	seq.s32 s10, $0x1;
	s10 =	sld [smem:$0x3FB0]  }
0x3d: {  	_ =	shalt  }
0x3e: {  	_ =	shalt  }
0x3f: {  	_ =	shalt  }
0x40: {  	_ =	shalt  }
0x41: {  	_ =	shalt  }
0x42: {  	_ =	shalt  }
0x43: {  	_ =	shalt  }
0x44: {  	_ =	shalt  }
0x45: {  	_ =	shalt  }
0x46: {  	_ =	shalt  }
0x47: {  	_ =	shalt  }
0x48: {  	_ =	shalt  }
0x49: {  	_ =	shalt  }
0x4a: {  	_ =	shalt  }
0x4b: {  	_ =	shalt  }
0x4c: {  	_ =	shalt  }
0x4d: {  	_ =	shalt  }
0x4e: {  	_ =	shalt  }
0x4f: {  	_ =	shalt  }
0x50: {  	_ =	shalt  }
0x51: {  	_ =	shalt  }
0x52: {  	_ =	shalt  }
0x53: {  	_ =	shalt  }
0x54: {  	_ =	shalt  }
0x55: {  	_ =	shalt  }
0x56: {  	_ =	shalt  }
0x57: {  	_ =	shalt  }
0x58: {  	_ =	shalt  }
0x59: {  	_ =	shalt  }
0x5a: {  	_ =	shalt  }
0x5b: {  	_ =	shalt  }
0x5c: {  	_ =	shalt  }
0x5d: {  	_ =	shalt  }
0x5e: {  	_ =	shalt  }
0x5f: {  	_ =	shalt  }
0x60: {  	_ =	shalt  }
0x61: {  	_ =	shalt  }
0x62: {  	_ =	shalt  }
0x63: {  	_ =	shalt  }
0x64: {  	_ =	shalt  }
0x65: {  	_ =	shalt  }
0x66: {  	_ =	shalt  }
0x67: {  	_ =	shalt  }
0x68: {  	_ =	shalt  }
0x69: {  	_ =	shalt  }
0x6a: {  	_ =	shalt  }
0x6b: {  	_ =	shalt  }
0x6c: {  	_ =	shalt  }
0x6d: {  	_ =	shalt  }
0x6e: {  	_ =	shalt  }
0x6f: {  	_ =	shalt  }
0x70: {  	_ =	shalt  }
0x71: {  	_ =	shalt  }
0x72: {  	_ =	shalt  }
0x73: {  	_ =	shalt  }
0x74: {  	_ =	shalt  }
0x75: {  	_ =	shalt  }
0x76: {  	_ =	shalt  }
0x77: {  	_ =	shalt  }
0x78: {  	_ =	shalt  }
0x79: {  	_ =	shalt  }
0x7a: {  	_ =	shalt  }
0x7b: {  	_ =	shalt  }
0x7c: {  	_ =	shalt  }
0x7d: {  	_ =	shalt  }
0x7e: {  	_ =	shalt  }
0x7f: {  	_ =	shalt  }
0x80: {  	_ =	shalt  }
0x81: {  	_ =	shalt  }
0x82: {  	_ =	shalt  }
0x83: {  	_ =	shalt  }
0x84: {  	_ =	shalt  }
0x85: {  	_ =	shalt  }
0x86: {  	_ =	shalt  }
0x87: {  	_ =	shalt  }
.Lfunc_end0:
.L_simem_size_0:
called_computation.2_lowered:
.L_overlay_start_0:
0x88: {  	s2 =	sld [smem:$0x3FD9]  }
0x89: {  	s3 =	sld [smem:$0x3FFE];
	_ =	sdelay $0x1  }
0x8a: {  	s1 =	srdreg.scid  }
0x8b: {  	s0 =	sand.u32 $0x1, s1  }
0x8c: {  	s16 =	sshll.u32 s0, $0xA;
	s2 =	sadd.s32 s3, s2  }
0x8d: {  	s2 =	sadd.s32 s2, s16  }
0x8e: {  	[smem:$0x3FBC] =	sst s2  }
0x8f: {  	_ = 	snop  }
0x90: {  	(tm) =	ssettm $0x1  }
0x91: {  	s17 =	sld [smem:$0x3FFB];
	_ =	sdelay $0x3  }
0x92: {  	_ =	strace s17  }
0x93: {  	s2 =	sld [smem:$0x3FFC];
	_ =	sdelay $0x3  }
0x94: {  	_ =	strace s2  }
0x95: {  	s2 =	sld [smem:$0x3FFD];
	_ =	sdelay $0x3  }
0x96: {  	_ =	strace s2  }
0x97: {  	_ =	strace $0x8FFFFFFF  }
0x98: {  	s18 =	sld [smem:$0x3FDB];
	_ =	sdelay $0x1  }
0x99: {  	s19 =	simm.s32 $_scs_section_size  }
0x9a: {  	s4 =	simm.s32 $_size__tile_overlayer_lowered;
	s5 =	simm.s32 $_tile_overlayer_lowered  }
0x9b: {  	s22 =	simm.s32 $0x1BFF;
	s21 =	sshll.u32 s5, $0x1;
	s2 =	sadd.s32 s19, s18  }
0x9c: {  	s6 =	simm.s32 $0x0;
	s20 =	sshll.u32 s4, $0x1;
	s4 =	sadd.s32 s21, s2  }
0x9d: {  	[timem:s6], [sflag:s22] =	dma.local [hbm:s4], s20  }
0x9e: {  	_ =	swait.ge [sflag:s22], s20  }
0x9f: {  	s3 =	ssub.s32 $0x0, s20;
	[sflag:s22] =	ssyncset.done $0x0  }
0xa0: {  	[sflag:s22] =	ssyncadd.s32 s3;
	_ =	sdelay $0x1  }
0xa1: {  	s23 =	simm.s32 $0x1B8B  }
0xa2: {  	_ =	swait.ge [sflag:s23], $0x1  }
0xa3: {  	[sflag:s23] =	ssyncset.done $0x0  }
0xa4: {  	s25 =	simm.s32 $0x1B8E;
	s24 =	sld [smem:$0x3FFE];
	[sflag:s23] =	ssyncadd.s32 $0xFFFFFFFF  }
0xa5: {  	s26 =	simm.s32 $execute0_lowered;
	[smem:$0x3FD2] =	sst s25  }
0xa6: {  	s4 =	sshll.u32 s26, $0x1;
	_ =	strace $0x8000004C;
	[dreg:$0x1] =	wrdreg $0xFFFFFFFF  }
0xa7: {  	s28 =	simm.s32 $_size_execute0_lowered;
	s2 =	sadd.s32 s2, s4;
	[dreg:$0x0] =	wrdreg $0x0  }
0xa8: {  	s4 =	sshll.u32 s28, $0x1;
	[dreg:$0x2] =	wrdreg s2  }
0xa9: {  	[dreg:$0x3] =	wrdreg s4  }
0xaa: {  	[dreg:$0x4] =	wrdreg $0xC0  }
0xab: {  	_ =	task [dreg:s6], $0x5FFFF  }
0xac: {  	[dreg:$0x1] =	wrdreg $0xFFFFFFFF  }
0xad: {  	[dreg:$0x0] =	wrdreg $0x60  }
0xae: {  	[dreg:$0x2] =	wrdreg s24  }
0xaf: {  	[dreg:$0x3] =	wrdreg $0xDE000  }
0xb0: {  	[dreg:$0x4] =	wrdreg $0x9  }
0xb1: {  	_ =	task.clear_ibuf [dreg:s6], $0x5FFFF;
	_ =	strace $0x9000004C  }
0xb2: {  	s29 =	simm.s32 $0x9;
	_ =	strace $0x8000004E  }
0xb3: {  	_ =	swait.ge [sflag:s29], $0x1  }
0xb4: {  	[sflag:s29] =	ssyncadd.s32 $0xFFFFFFFF  }
0xb5: {  	_ =	strace $0x9000004E  }
0xb6: {  	_ =	sfence  }
0xb7: {  	s30 =	sld [smem:$0x0];
	_ =	sdelay $0x2  }
0xb8: {  	s31 =	sshll.u32 s1, $0xD;
	s1 =	sshrl.u32 s1, $0x2  }
0xb9: {  	s3 =	sand.u32 $0x4000, s31;
	s1 =	sadd.s32 s1, s30  }
0xba: {  	s0 =	sor.u32 s3, s0;
	s1 =	sshll.u32 s1, $0x11  }
0xbb: {  	s0 =	sor.u32 s1, s0  }
0xbc: {  	s0 =	sadd.s32 $0x8F2B, s0  }
0xbd: {  	[sflag:s0] =	ssyncadd.remote.s32 $0x1  }
0xbe: {  	_ =	sfence.sel $0xFFFF  }
0xbf: {  	[dreg:$0x0] =	wrdreg $0xFFFFFFFF;
	(pc) =	sbr.abs _section_cstart, $3  }
0xc0: {  	[dreg:$0x1] =	wrdreg $0xFFFFFFFF  }
0xc1: {  	_ =	task.clear_ibuf [dreg:s6], $0x2FFFF;
	_ =	strace $0x9FFFFFFF  }
0xc2: {  	(tm) =	ssettm $0x7FFFFFFF  }
0xc3: {  	_ =	shalt  }
tec
execute0_lowered:
.L_overlay_start_1:
0x0: {  	(tag) =	ssettag $0x1  }
0x1: {  	s1 =	srdreg.scid;
	s6 =	rddreg [dreg:$0x0]  }
0x2: {  	s0 =	stileid.u32;
	s2 =	rddreg [dreg:$0x1];
	s3 =	simm.s32 $0x0  }
0x3: {  	s14 =	simm.s32 $0x80;
	s15 =	simm.s32 $0x9E00;
	s16 =	simm.s32 $0xBE00  }
0x4: {  	s17 =	simm.s32 $0x1;
	s18 =	simm.s32 $0x2;
	s19 =	simm.s32 $0x4E80  }
0x5: {  	s20 =	simm.s32 $0x9D00;
	s21 =	simm.s32 $0x9D80;
	s22 =	simm.s32 $0x0  }
0x6: {  	s5 =	sand.u32 $0x1, s1;
	s30 =	sshll.u32 s0, $0x1;
	s8 =	smul.u32 $0x9E00, s0  }
0x7: {  	[smem:$0x7FF] =	sst s3;
	s4 =	sadd.s32 $0x88800, s6;
	s12 =	sshll.u32 s0, $0x6  }
0x8: {  	s1 =	sor.u32 s5, s30;
	s9 =	smul.u32 $0x9E000, s5;
	s5 =	ssub.s32 $0x2, s5  }
0x9: {  	s12 =	sor.u32 $0x1C03, s12;
	s7 =	smul.u32 $0x9E0, s1;
	s1 =	rddreg [dreg:$0x2]  }
0xa: {  	_ =	strace $0x8000004D;
	s10 =	sshrl.u32 s8, $0x3;
	s31 =	sshrl.u32 s5, $0x1  }
0xb: {  	s13 =	sadd.s32 s8, s2;
	s9 =	sadd.s32 s8, s9;
	s10 =	sadd.s32 s10, s6  }
0xc: {  	s11 =	ssub.s32 s5, s31;
	s7 =	sadd.s32 s7, s6;
	s9 =	sshrl.u32 s9, $0x3  }
0xd: {  	s13 =	sshrl.u32 s13, $0x3;
	s9 =	sadd.s32 s9, s6;
	s5 =	sadd.s32 $0x25C00, s7  }
0xe: {  	s6 =	sadd.s32 $0x3200, s7;
	s7 =	sadd.s32 $0xC3400, s10;
	s10 =	simm.s32 $0x3  }
0xf: {  	s8 =	sadd.s32 $0xD7000, s9;
	s9 =	smax.u32 s11, $0x1;
	s11 =	simm.s32 $0x4F00  }
.LBB2_1:
0x10: {  	[tilespmem:s3], [sflag:$0x3] =	stream.linear.gather [hbm4b:s5+s3], $0x4F00, $0x38;
	[tilespmem:$0x17C00] =	vst v63  }
0x11: {  	_ =	swait.ge [sflag:s10], $0x4F00  }
0x12: {  	[sflag:s10] =	ssyncset.done $0x0  }
0x13: {  	[sflag:s10] =	ssyncadd.s32 $0xFFFFB100  }
0x14: {  	[tilespmem:s11], [sflag:$0x3] =	stream.linear.gather [hbm4b:s6+s3], $0x4F00, $0x38;
	[tilespmem:$0x17C00] =	vst v63  }
0x15: {  	_ =	swait.ge [sflag:s10], $0x4F00  }
0x16: {  	[sflag:s10] =	ssyncset.done $0x0  }
0x17: {  	[sflag:s10] =	ssyncadd.s32 $0xFFFFB100  }
0x18: {  	[spmem:s13], [sflag:s12] =	dma.local [hbm:s7], $0x13C0  }
0x19: {  	_ =	swait.ge [sflag:s10], $0x13C0  }
0x1a: {  	[sflag:s10] =	ssyncset.done $0x0  }
0x1b: {  	[sflag:s10] =	ssyncadd.s32 $0xFFFFEC40  }
0x1c: {  	[bflag:$0x0] =	sbarrier.arrive $0xFFFF  }
0x1d: {  	[tilespmem:s15], [sflag:$0x1] =	stream.indirect.gather [hbm4b:s4+s14], $0x40, s3, s14, $0xb8;
	[tilespmem:$0x17C00] =	vst v63  }
0x1e: {  	s23 =	simm.s32 $0x80  }
0x1f: {  	[tilespmem:s16], [sflag:$0x2] =	stream.indirect.gather [hbm4b:s4+s14], $0x40, s23, s14, $0xb8;
	[tilespmem:$0x17C00] =	vst v63  }
0x20: {  	_ =	swait.ge [sflag:s17], $0x2000  }
0x21: {  	[sflag:s17] =	ssyncset.done $0x0  }
0x22: {  	s29 =	simm.s32 $0x4F00;
	[sflag:s17] =	ssyncadd.s32 $0xFFFFE000  }
0x23: {  	[spmem:s2] =	stream.indirect.scatter.add.f32 [tilespmem:s15], [sflag:$0x3], $0x40, s29, s14, $0xb8;
	[tilespmem:$0x17C00] =	vst v63  }
0x24: {  	_ =	swait.ge [sflag:s10], $0x2000  }
0x25: {  	[sflag:s10] =	ssyncset.done $0x0  }
0x26: {  	s30 =	simm.s32 $0x100;
	[sflag:s10] =	ssyncadd.s32 $0xFFFFE000  }
0x27: {  	[tilespmem:s15], [sflag:$0x1] =	stream.indirect.gather [hbm4b:s4+s14], $0x40, s30, s14, $0xb8;
	[tilespmem:$0x17C00] =	vst v63  }
0x28: {  	_ =	swait.ge [sflag:s18], $0x2000  }
0x29: {  	[sflag:s18] =	ssyncset.done $0x0  }
0x2a: {  	s31 =	simm.s32 $0x4F80;
	[sflag:s18] =	ssyncadd.s32 $0xFFFFE000  }
0x2b: {  	[spmem:s2] =	stream.indirect.scatter.add.f32 [tilespmem:s16], [sflag:$0x3], $0x40, s31, s14, $0xb8;
	[tilespmem:$0x17C00] =	vst v63  }
0x2c: {  	_ =	swait.ge [sflag:s10], $0x2000  }
0x2d: {  	s24 =	simm.s32 $0x800;
	s23 =	simm.s32 $0x100;
	[sflag:s10] =	ssyncset.done $0x0  }
.LBB2_2:
0x2e: {  	s25 =	sadd.s32 $0x80, s23  }
0x2f: {  	[sflag:s10] =	ssyncadd.s32 $0xFFFFE000;
	s26 =	smov.u32 s24;
	s28 =	sadd.s32 $0x400, s24  }
0x30: {  	[tilespmem:s16], [sflag:$0x2] =	stream.indirect.gather [hbm4b:s4+s14], $0x40, s25, s14, $0xb8;
	[tilespmem:$0x17C00] =	vst v63  }
0x31: {  	p0 =	sne.s32 s24, $0x13400;
	_ =	swait.ge [sflag:s17], $0x2000  }
0x32: {  	[sflag:s17] =	ssyncset.done $0x0  }
0x33: {  	s24 =	sadd.s32 $0x4F00, s23;
	[sflag:s17] =	ssyncadd.s32 $0xFFFFE000  }
0x34: {  	[spmem:s2] =	stream.indirect.scatter.add.f32 [tilespmem:s15], [sflag:$0x3], $0x40, s24, s14, $0xb8;
	[tilespmem:$0x17C00] =	vst v63  }
0x35: {  	_ =	swait.ge [sflag:s10], $0x2000  }
0x36: {  	[sflag:s10] =	ssyncset.done $0x0  }
0x37: {  	s24 =	sadd.s32 $0x100, s23;
	[sflag:s10] =	ssyncadd.s32 $0xFFFFE000  }
0x38: {  	[tilespmem:s15], [sflag:$0x1] =	stream.indirect.gather [hbm4b:s4+s14], $0x40, s24, s14, $0xb8;
	[tilespmem:$0x17C00] =	vst v63  }
0x39: {  	_ =	swait.ge [sflag:s18], $0x2000  }
.Ltmp0:
0x3a: {  	[sflag:s18] =	ssyncset.done $0x0;
	(pc) =	sbr.rel @p0 .LBB2_2-.Ltmp0, $4  }
0x3b: {  	s23 =	sadd.s32 $0x4F80, s23;
	[sflag:s18] =	ssyncadd.s32 $0xFFFFE000  }
0x3c: {  	[spmem:s2] =	stream.indirect.scatter.add.f32 [tilespmem:s16], [sflag:$0x3], $0x40, s23, s14, $0xb8;
	[tilespmem:$0x17C00] =	vst v63  }
0x3d: {  	_ =	swait.ge [sflag:s10], $0x2000  }
0x3e: {  	s24 =	smov.u32 s28;
	s23 =	sshra.s32 s26, $0x2;
	[sflag:s10] =	ssyncset.done $0x0  }
0x3f: {  	s24 =	sadd.s32 $0x80, s23;
	[sflag:s10] =	ssyncadd.s32 $0xFFFFE000  }
0x40: {  	[tilespmem:s16], [sflag:$0x2] =	stream.indirect.gather [hbm4b:s4+s14], $0x40, s24, s14, $0xb8;
	[tilespmem:$0x17C00] =	vst v63  }
0x41: {  	_ =	swait.ge [sflag:s17], $0x2000  }
0x42: {  	[sflag:s17] =	ssyncset.done $0x0  }
0x43: {  	s29 =	sadd.s32 $0x4F00, s23;
	[sflag:s17] =	ssyncadd.s32 $0xFFFFE000  }
0x44: {  	[spmem:s2] =	stream.indirect.scatter.add.f32 [tilespmem:s15], [sflag:$0x3], $0x40, s29, s14, $0xb8;
	[tilespmem:$0x17C00] =	vst v63  }
0x45: {  	_ =	swait.ge [sflag:s10], $0x2000  }
0x46: {  	[sflag:s10] =	ssyncset.done $0x0  }
0x47: {  	s30 =	sadd.s32 $0x100, s23;
	[sflag:s10] =	ssyncadd.s32 $0xFFFFE000  }
0x48: {  	[tilespmem:s15], [sflag:$0x1] =	stream.indirect.gather [hbm4b:s4+s14], $0x40, s30, s14, $0xb8;
	[tilespmem:$0x17C00] =	vst v63  }
0x49: {  	_ =	swait.ge [sflag:s18], $0x2000  }
0x4a: {  	[sflag:s18] =	ssyncset.done $0x0  }
0x4b: {  	s31 =	sadd.s32 $0x4F80, s23;
	[sflag:s18] =	ssyncadd.s32 $0xFFFFE000  }
0x4c: {  	[spmem:s2] =	stream.indirect.scatter.add.f32 [tilespmem:s16], [sflag:$0x3], $0x40, s31, s14, $0xb8;
	[tilespmem:$0x17C00] =	vst v63  }
0x4d: {  	_ =	swait.ge [sflag:s10], $0x2000  }
0x4e: {  	[sflag:s10] =	ssyncset.done $0x0  }
0x4f: {  	[sflag:s10] =	ssyncadd.s32 $0xFFFFE000  }
0x50: {  	[tilespmem:s16], [sflag:$0x2] =	stream.indirect.gather [hbm4b:s4+s14], $0x40, s19, s14, $0xb8;
	[tilespmem:$0x17C00] =	vst v63  }
0x51: {  	_ =	swait.ge [sflag:s17], $0x2000  }
0x52: {  	[sflag:s17] =	ssyncset.done $0x0  }
0x53: {  	[sflag:s17] =	ssyncadd.s32 $0xFFFFE000  }
0x54: {  	[spmem:s2] =	stream.indirect.scatter.add.f32 [tilespmem:s15], [sflag:$0x3], $0x40, s20, s14, $0xb8;
	[tilespmem:$0x17C00] =	vst v63  }
0x55: {  	_ =	swait.ge [sflag:s10], $0x2000  }
0x56: {  	[sflag:s10] =	ssyncset.done $0x0  }
0x57: {  	[sflag:s10] =	ssyncadd.s32 $0xFFFFE000  }
0x58: {  	_ =	swait.ge [sflag:s18], $0x2000  }
0x59: {  	[sflag:s18] =	ssyncset.done $0x0  }
0x5a: {  	[sflag:s18] =	ssyncadd.s32 $0xFFFFE000  }
0x5b: {  	[spmem:s2] =	stream.indirect.scatter.add.f32 [tilespmem:s16], [sflag:$0x3], $0x40, s21, s14, $0xb8;
	[tilespmem:$0x17C00] =	vst v63  }
0x5c: {  	_ =	swait.ge [sflag:s10], $0x2000  }
0x5d: {  	s22 =	sadd.s32 $0x1, s22;
	[sflag:s10] =	ssyncset.done $0x0  }
0x5e: {  	p0 =	sne.s32 s22, s9;
	[sflag:s10] =	ssyncadd.s32 $0xFFFFE000  }
.Ltmp1:
0x5f: {  	[bflag:$0x0] =	sbarrier.arrive $0xFFFF;
	(pc) =	sbr.rel @p0 .LBB2_1-.Ltmp1, $4  }
0x60: {  	[hbm:s8], [sflag:s12] =	dma.local [spmem:s13], $0x13C0  }
0x61: {  	_ =	swait.ge [sflag:s10], $0x13C0  }
0x62: {  	[sflag:s10] =	ssyncset.done $0x0  }
0x63: {  	[sflag:s10] =	ssyncadd.s32 $0xFFFFEC40  }
0x64: {  	_ =	sfence.sel $0x180000  }
0x65: {  	[bflag:$0x0] =	sbarrier.arrive $0xFFFF  }
0x66: {  	p0 =	sne.s32 s0, $0x0;
	_ =	strace $0x9000004D  }
0x67: {  	s0 =	sadd.s32 @!p0 $0x100000, s1;
	[bflag:$0x2] =	sbarrier.arrive $0xFFFF  }
0x68: {  	[sflag:s0] =	ssyncadd.tile.s32 @!p0 $0x1;
	_ =	shalt  }
.Lfunc_end2:
_tile_overlayer_lowered:
.L_overlay_start_2:
0x69: {  	(tag) =	ssettag $0x2  }
0x6a: {  	s0 =	rddreg [dreg:$0x0];
	s2 =	stileid.u32  }
0x6b: {  	s1 =	rddreg [dreg:$0x1];
	p0 =	sne.s32 s2, $0x0  }
0x6c: {  	s3 =	rddreg [dreg:$0x2];
	[bflag:$0x3] =	sbarrier.arrive $0xFFFF;
	s2 =	simm.s32 @!p0 $0x1C03  }
0x6d: {  	[timem:s3], [sflag:s2] =	dma.local @!p0 [hbm:s0], s1  }
0x6e: {  	s0 =	simm.s32 @!p0 $0x3  }
0x6f: {  	_ =	swait.ge @!p0 [sflag:s0], s1  }
0x70: {  	s1 =	ssub.s32 @!p0 $0x0, s1;
	[sflag:s0] =	ssyncset.done @!p0 $0x0  }
0x71: {  	[sflag:s0] =	ssyncadd.s32 @!p0 s1  }
0x72: {  	[bflag:$0x3] =	sbarrier.arrive $0xFFFF  }
0x73: {  	_ =	shalt  }

// kernel: kernel.19.cloned.1.call-start
scs
__scs_entry_jumppad:
0x0: {  	(pc) =	sbr.rel $0x88, $3  }
0x1: {  	(tag) =	ssettag $0x0;
	lr =	simm.s32 $0x1  }
0x2: {  	[smem:$0x3F95] =	sst lr;
	_ =	strace $0xD0000000  }
0x3: {  	_ = 	snop  }
0x4: {  	_ = 	snop  }
0x5: {  	_ = 	snop  }
0x6: {  	_ = 	snop  }
0x7: {  	_ = 	snop  }
__scs_overlays_trampoline_lowered:
0x8: {  	[smem:$0x3FA4] =	sst s0  }
0x9: {  	[smem:$0x3FA5] =	sst s1  }
0xa: {  	[smem:$0x3FA6] =	sst s2  }
0xb: {  	[smem:$0x3FA7] =	sst s3  }
0xc: {  	[smem:$0x3FA8] =	sst s4  }
0xd: {  	[smem:$0x3FA9] =	sst s5  }
0xe: {  	[smem:$0x3FAA] =	sst s6  }
0xf: {  	[smem:$0x3FAB] =	sst s7  }
0x10: {  	[smem:$0x3FAC] =	sst s8  }
0x11: {  	[smem:$0x3FAD] =	sst s9;
	s0 =	simm.s32 @!p0 $0x0  }
0x12: {  	s1 =	sld [smem:$0x3F93];
	s0 =	simm.s32 @p0 $0x1  }
0x13: {  	[smem:$0x3FAE] =	sst s0;
	s0 =	simm.s32 @!p1 $0x0  }
0x14: {  	s2 =	sld [smem:$0x3F92];
	s0 =	simm.s32 @p1 $0x1  }
0x15: {  	[smem:$0x3FAF] =	sst s0;
	s0 =	simm.s32 @!p2 $0x0  }
0x16: {  	s3 =	sld [smem:$0x3FDB];
	s0 =	simm.s32 @p2 $0x1  }
0x17: {  	s4 =	simm.s32 $0x1BF5;
	[smem:$0x3FB1] =	sst s0  }
0x18: {  	s0 =	sld [smem:$0x3F94];
	_ =	swait.ge [sflag:s4], $0x0  }
0x19: {  	s7 =	sld [smem:$0x3F95]  }
0x1a: {  	s8 =	sadd.s32 $0xFFFFE003, lr  }
0x1b: {  	s9 =	sadd.s32 $0xFFFFFEF7, lr;
	s5 =	simm.s32 $0xFFFFFFFF;
	p2 =	slt.u32 s8, $0xFFFFF086  }
0x1c: {  	p1 =	slt.u32 s9, $0xF7A;
	s5 =	simm.s32 @!p2 $0x0  }
0x1d: {  	s5 =	simm.s32 @p1 $0x1;
	p0 =	seq.s32 s7, s2  }
0x1e: {  	s7 =	smul.u32 @!p0 $0xF7A, s2;
	p2 =	seq.s32 @!p0 s5, $0x0  }
0x1f: {  	s9 =	smul.u32 $0xF7A, s1;
	s8 =	simm.s32 @!p0 $0x1BF5;
	p2 =	por !p2, p0  }
0x20: {  	[sflag:s8] =	ssyncset.s32 @!p0 $0xFFFFF086;
	s6 =	sadd.s32 @!p0 s3, s7;
	s7 =	simm.s32 @!p0 $0x108  }
0x21: {  	s3 =	sadd.s32 s3, s9;
	s6 =	sadd.s32 @!p0 $0x88, s6;
	s7 =	simm.s32 @p2 $0x1082  }
0x22: {  	[simem:s7], [sflag:s8] =	dma.local @!p0 [hbm:s6], $0xF7A  }
0x23: {  	s9 =	sor.u32 $0xD0000000, s2;
	s6 =	simm.s32 $0x108;
	_ =	swait.ge @!p0 [sflag:s8], $0x0  }
0x24: {  	s3 =	sadd.s32 $0x88, s3;
	s6 =	simm.s32 @!p1 $0x1082;
	[sflag:s4] =	ssyncset.s32 $0xFFFFF086  }
0x25: {  	[simem:s6], [sflag:s4] =	dma.local [hbm:s3], $0xF7A  }
0x26: {  	[smem:$0x3F95] =	sst s1;
	(tag) =	ssettag s2;
	_ =	strace s9  }
0x27: {  	s1 =	sld [smem:$0x3FA5]  }
0x28: {  	s2 =	sld [smem:$0x3FA6]  }
0x29: {  	s4 =	sld [smem:$0x3FA8]  }
0x2a: {  	p0 =	seq.s32 s5, $0x0;
	s5 =	sld [smem:$0x3FA9]  }
0x2b: {  	s6 =	sld [smem:$0x3FAA]  }
0x2c: {  	s7 =	sld [smem:$0x3FAB]  }
0x2d: {  	s3 =	simm.s32 $0x108;
	s8 =	sld [smem:$0x3FAC]  }
0x2e: {  	s3 =	simm.s32 @!p0 $0x1082;
	s9 =	sld [smem:$0x3FAD]  }
0x2f: {  	lr =	sadd.s32 s0, s3;
	s0 =	sld [smem:$0x3FA4]  }
0x30: {  	s3 =	sld [smem:$0x3FA7]  }
0x31: {  	[smem:$0x3FB0] =	sst s10  }
0x32: {  	s10 =	sld [smem:$0x3FAE];
	_ =	sdelay $0x3  }
0x33: {  	p0 =	seq.s32 s10, $0x1;
	s10 =	sld [smem:$0x3FB0];
	_ =	sdelay $0x3  }
0x34: {  	[smem:$0x3FB0] =	sst s10  }
0x35: {  	s10 =	sld [smem:$0x3FAF];
	_ =	sdelay $0x3  }
0x36: {  	p1 =	seq.s32 s10, $0x1;
	s10 =	sld [smem:$0x3FB0];
	_ =	sdelay $0x3  }
0x37: {  	[smem:$0x3FB0] =	sst s10  }
0x38: {  	s10 =	sld [smem:$0x3FB1]  }
0x39: {  	_ = 	snop;
	(pc) =	sbr.ind lr, $3  }
0x3a: {  	_ = 	snop  }
0x3b: {  	_ = 	snop  }
0x3c: {  	p2 =	seq.s32 s10, $0x1;
	s10 =	sld [smem:$0x3FB0]  }
0x3d: {  	_ =	shalt  }
0x3e: {  	_ =	shalt  }
0x3f: {  	_ =	shalt  }
0x40: {  	_ =	shalt  }
0x41: {  	_ =	shalt  }
0x42: {  	_ =	shalt  }
0x43: {  	_ =	shalt  }
0x44: {  	_ =	shalt  }
0x45: {  	_ =	shalt  }
0x46: {  	_ =	shalt  }
0x47: {  	_ =	shalt  }
0x48: {  	_ =	shalt  }
0x49: {  	_ =	shalt  }
0x4a: {  	_ =	shalt  }
0x4b: {  	_ =	shalt  }
0x4c: {  	_ =	shalt  }
0x4d: {  	_ =	shalt  }
0x4e: {  	_ =	shalt  }
0x4f: {  	_ =	shalt  }
0x50: {  	_ =	shalt  }
0x51: {  	_ =	shalt  }
0x52: {  	_ =	shalt  }
0x53: {  	_ =	shalt  }
0x54: {  	_ =	shalt  }
0x55: {  	_ =	shalt  }
0x56: {  	_ =	shalt  }
0x57: {  	_ =	shalt  }
0x58: {  	_ =	shalt  }
0x59: {  	_ =	shalt  }
0x5a: {  	_ =	shalt  }
0x5b: {  	_ =	shalt  }
0x5c: {  	_ =	shalt  }
0x5d: {  	_ =	shalt  }
0x5e: {  	_ =	shalt  }
0x5f: {  	_ =	shalt  }
0x60: {  	_ =	shalt  }
0x61: {  	_ =	shalt  }
0x62: {  	_ =	shalt  }
0x63: {  	_ =	shalt  }
0x64: {  	_ =	shalt  }
0x65: {  	_ =	shalt  }
0x66: {  	_ =	shalt  }
0x67: {  	_ =	shalt  }
0x68: {  	_ =	shalt  }
0x69: {  	_ =	shalt  }
0x6a: {  	_ =	shalt  }
0x6b: {  	_ =	shalt  }
0x6c: {  	_ =	shalt  }
0x6d: {  	_ =	shalt  }
0x6e: {  	_ =	shalt  }
0x6f: {  	_ =	shalt  }
0x70: {  	_ =	shalt  }
0x71: {  	_ =	shalt  }
0x72: {  	_ =	shalt  }
0x73: {  	_ =	shalt  }
0x74: {  	_ =	shalt  }
0x75: {  	_ =	shalt  }
0x76: {  	_ =	shalt  }
0x77: {  	_ =	shalt  }
0x78: {  	_ =	shalt  }
0x79: {  	_ =	shalt  }
0x7a: {  	_ =	shalt  }
0x7b: {  	_ =	shalt  }
0x7c: {  	_ =	shalt  }
0x7d: {  	_ =	shalt  }
0x7e: {  	_ =	shalt  }
0x7f: {  	_ =	shalt  }
0x80: {  	_ =	shalt  }
0x81: {  	_ =	shalt  }
0x82: {  	_ =	shalt  }
0x83: {  	_ =	shalt  }
0x84: {  	_ =	shalt  }
0x85: {  	_ =	shalt  }
0x86: {  	_ =	shalt  }
0x87: {  	_ =	shalt  }
.Lfunc_end0:
.L_simem_size_0:
called_computation.3_lowered:
.L_overlay_start_0:
0x88: {  	s2 =	sld [smem:$0x3FD9]  }
0x89: {  	s3 =	sld [smem:$0x3FFE];
	_ =	sdelay $0x1  }
0x8a: {  	s1 =	srdreg.scid  }
0x8b: {  	s0 =	sand.u32 $0x1, s1  }
0x8c: {  	s16 =	sshll.u32 s0, $0xA;
	s2 =	sadd.s32 s3, s2  }
0x8d: {  	s2 =	sadd.s32 s2, s16  }
0x8e: {  	[smem:$0x3FBC] =	sst s2  }
0x8f: {  	_ = 	snop  }
0x90: {  	(tm) =	ssettm $0x1  }
0x91: {  	s17 =	sld [smem:$0x3FFB];
	_ =	sdelay $0x3  }
0x92: {  	_ =	strace s17  }
0x93: {  	s2 =	sld [smem:$0x3FFC];
	_ =	sdelay $0x3  }
0x94: {  	_ =	strace s2  }
0x95: {  	s2 =	sld [smem:$0x3FFD];
	_ =	sdelay $0x3  }
0x96: {  	_ =	strace s2  }
0x97: {  	_ =	strace $0x8FFFFFFF  }
0x98: {  	s18 =	sld [smem:$0x3FDB];
	_ =	sdelay $0x1  }
0x99: {  	s19 =	simm.s32 $_scs_section_size  }
0x9a: {  	s4 =	simm.s32 $_size__tile_overlayer_lowered;
	s5 =	simm.s32 $_tile_overlayer_lowered  }
0x9b: {  	s22 =	simm.s32 $0x1BFF;
	s21 =	sshll.u32 s5, $0x1;
	s2 =	sadd.s32 s19, s18  }
0x9c: {  	s6 =	simm.s32 $0x0;
	s20 =	sshll.u32 s4, $0x1;
	s4 =	sadd.s32 s21, s2  }
0x9d: {  	[timem:s6], [sflag:s22] =	dma.local [hbm:s4], s20  }
0x9e: {  	_ =	swait.ge [sflag:s22], s20  }
0x9f: {  	s3 =	ssub.s32 $0x0, s20;
	[sflag:s22] =	ssyncset.done $0x0  }
0xa0: {  	[sflag:s22] =	ssyncadd.s32 s3;
	_ =	sdelay $0x1  }
0xa1: {  	s23 =	simm.s32 $0x1B8B  }
0xa2: {  	_ =	swait.ge [sflag:s23], $0x1  }
0xa3: {  	[sflag:s23] =	ssyncset.done $0x0  }
0xa4: {  	s25 =	simm.s32 $0x1B8E;
	s24 =	sld [smem:$0x3FFE];
	[sflag:s23] =	ssyncadd.s32 $0xFFFFFFFF  }
0xa5: {  	s26 =	simm.s32 $execute0_lowered;
	[smem:$0x3FD2] =	sst s25  }
0xa6: {  	s4 =	sshll.u32 s26, $0x1;
	_ =	strace $0x8000004F;
	[dreg:$0x1] =	wrdreg $0xFFFFFFFF  }
0xa7: {  	s28 =	simm.s32 $_size_execute0_lowered;
	s2 =	sadd.s32 s2, s4;
	[dreg:$0x0] =	wrdreg $0x0  }
0xa8: {  	s4 =	sshll.u32 s28, $0x1;
	[dreg:$0x2] =	wrdreg s2  }
0xa9: {  	[dreg:$0x3] =	wrdreg s4  }
0xaa: {  	[dreg:$0x4] =	wrdreg $0xC0  }
0xab: {  	_ =	task [dreg:s6], $0x5FFFF  }
0xac: {  	[dreg:$0x1] =	wrdreg $0xFFFFFFFF  }
0xad: {  	[dreg:$0x0] =	wrdreg $0x60  }
0xae: {  	[dreg:$0x2] =	wrdreg s24  }
0xaf: {  	[dreg:$0x3] =	wrdreg $0xDE000  }
0xb0: {  	[dreg:$0x4] =	wrdreg $0x9  }
0xb1: {  	_ =	task.clear_ibuf [dreg:s6], $0x5FFFF;
	_ =	strace $0x9000004F  }
0xb2: {  	s29 =	simm.s32 $0x9;
	_ =	strace $0x80000051  }
0xb3: {  	_ =	swait.ge [sflag:s29], $0x1  }
0xb4: {  	[sflag:s29] =	ssyncadd.s32 $0xFFFFFFFF  }
0xb5: {  	_ =	strace $0x90000051  }
0xb6: {  	_ =	sfence  }
0xb7: {  	s30 =	sld [smem:$0x0];
	_ =	sdelay $0x2  }
0xb8: {  	s31 =	sshll.u32 s1, $0xD;
	s1 =	sshrl.u32 s1, $0x2  }
0xb9: {  	s3 =	sand.u32 $0x4000, s31;
	s1 =	sadd.s32 s1, s30  }
0xba: {  	s0 =	sor.u32 s3, s0;
	s1 =	sshll.u32 s1, $0x11  }
0xbb: {  	s0 =	sor.u32 s1, s0  }
0xbc: {  	s0 =	sadd.s32 $0x8F2B, s0  }
0xbd: {  	[sflag:s0] =	ssyncadd.remote.s32 $0x1  }
0xbe: {  	_ =	sfence.sel $0xFFFF  }
0xbf: {  	[dreg:$0x0] =	wrdreg $0xFFFFFFFF;
	(pc) =	sbr.abs _section_cstart, $3  }
0xc0: {  	[dreg:$0x1] =	wrdreg $0xFFFFFFFF  }
0xc1: {  	_ =	task.clear_ibuf [dreg:s6], $0x2FFFF;
	_ =	strace $0x9FFFFFFF  }
0xc2: {  	(tm) =	ssettm $0x7FFFFFFF  }
0xc3: {  	_ =	shalt  }
tec
execute0_lowered:
.L_overlay_start_1:
0x0: {  	(tag) =	ssettag $0x1  }
0x1: {  	s1 =	srdreg.scid;
	s6 =	rddreg [dreg:$0x0]  }
0x2: {  	s0 =	stileid.u32;
	s2 =	rddreg [dreg:$0x1];
	s3 =	simm.s32 $0x0  }
0x3: {  	s14 =	simm.s32 $0x80;
	s15 =	simm.s32 $0x9E00;
	s16 =	simm.s32 $0xBE00  }
0x4: {  	s17 =	simm.s32 $0x1;
	s18 =	simm.s32 $0x2;
	s19 =	simm.s32 $0x4E80  }
0x5: {  	s20 =	simm.s32 $0x9D00;
	s21 =	simm.s32 $0x9D80;
	s22 =	simm.s32 $0x0  }
0x6: {  	s5 =	sand.u32 $0x1, s1;
	s30 =	sshll.u32 s0, $0x1;
	s8 =	smul.u32 $0x9E00, s0  }
0x7: {  	[smem:$0x7FF] =	sst s3;
	s4 =	sadd.s32 $0x88800, s6;
	s12 =	sshll.u32 s0, $0x6  }
0x8: {  	s1 =	sor.u32 s5, s30;
	s9 =	smul.u32 $0x9E000, s5;
	s5 =	ssub.s32 $0x2, s5  }
0x9: {  	s12 =	sor.u32 $0x1C03, s12;
	s7 =	smul.u32 $0x9E0, s1;
	s1 =	rddreg [dreg:$0x2]  }
0xa: {  	_ =	strace $0x80000050;
	s10 =	sshrl.u32 s8, $0x3;
	s31 =	sshrl.u32 s5, $0x1  }
0xb: {  	s13 =	sadd.s32 s8, s2;
	s9 =	sadd.s32 s8, s9;
	s10 =	sadd.s32 s10, s6  }
0xc: {  	s11 =	ssub.s32 s5, s31;
	s7 =	sadd.s32 s7, s6;
	s9 =	sshrl.u32 s9, $0x3  }
0xd: {  	s13 =	sshrl.u32 s13, $0x3;
	s9 =	sadd.s32 s9, s6;
	s5 =	sadd.s32 $0x25C00, s7  }
0xe: {  	s6 =	sadd.s32 $0x3200, s7;
	s7 =	sadd.s32 $0xC3400, s10;
	s10 =	simm.s32 $0x3  }
0xf: {  	s8 =	sadd.s32 $0xD7000, s9;
	s9 =	smax.u32 s11, $0x1;
	s11 =	simm.s32 $0x4F00  }
.LBB2_1:
0x10: {  	[tilespmem:s3], [sflag:$0x3] =	stream.linear.gather [hbm4b:s5+s3], $0x4F00, $0x38;
	[tilespmem:$0x17C00] =	vst v63  }
0x11: {  	_ =	swait.ge [sflag:s10], $0x4F00  }
0x12: {  	[sflag:s10] =	ssyncset.done $0x0  }
0x13: {  	[sflag:s10] =	ssyncadd.s32 $0xFFFFB100  }
0x14: {  	[tilespmem:s11], [sflag:$0x3] =	stream.linear.gather [hbm4b:s6+s3], $0x4F00, $0x38;
	[tilespmem:$0x17C00] =	vst v63  }
0x15: {  	_ =	swait.ge [sflag:s10], $0x4F00  }
0x16: {  	[sflag:s10] =	ssyncset.done $0x0  }
0x17: {  	[sflag:s10] =	ssyncadd.s32 $0xFFFFB100  }
0x18: {  	[spmem:s13], [sflag:s12] =	dma.local [hbm:s7], $0x13C0  }
0x19: {  	_ =	swait.ge [sflag:s10], $0x13C0  }
0x1a: {  	[sflag:s10] =	ssyncset.done $0x0  }
0x1b: {  	[sflag:s10] =	ssyncadd.s32 $0xFFFFEC40  }
0x1c: {  	[bflag:$0x0] =	sbarrier.arrive $0xFFFF  }
0x1d: {  	[tilespmem:s15], [sflag:$0x1] =	stream.indirect.gather [hbm4b:s4+s14], $0x40, s3, s14, $0xb8;
	[tilespmem:$0x17C00] =	vst v63  }
0x1e: {  	s23 =	simm.s32 $0x80  }
0x1f: {  	[tilespmem:s16], [sflag:$0x2] =	stream.indirect.gather [hbm4b:s4+s14], $0x40, s23, s14, $0xb8;
	[tilespmem:$0x17C00] =	vst v63  }
0x20: {  	_ =	swait.ge [sflag:s17], $0x2000  }
0x21: {  	[sflag:s17] =	ssyncset.done $0x0  }
0x22: {  	s29 =	simm.s32 $0x4F00;
	[sflag:s17] =	ssyncadd.s32 $0xFFFFE000  }
0x23: {  	[spmem:s2] =	stream.indirect.scatter.add.f32 [tilespmem:s15], [sflag:$0x3], $0x40, s29, s14, $0xb8;
	[tilespmem:$0x17C00] =	vst v63  }
0x24: {  	_ =	swait.ge [sflag:s10], $0x2000  }
0x25: {  	[sflag:s10] =	ssyncset.done $0x0  }
0x26: {  	s30 =	simm.s32 $0x100;
	[sflag:s10] =	ssyncadd.s32 $0xFFFFE000  }
0x27: {  	[tilespmem:s15], [sflag:$0x1] =	stream.indirect.gather [hbm4b:s4+s14], $0x40, s30, s14, $0xb8;
	[tilespmem:$0x17C00] =	vst v63  }
0x28: {  	_ =	swait.ge [sflag:s18], $0x2000  }
0x29: {  	[sflag:s18] =	ssyncset.done $0x0  }
0x2a: {  	s31 =	simm.s32 $0x4F80;
	[sflag:s18] =	ssyncadd.s32 $0xFFFFE000  }
0x2b: {  	[spmem:s2] =	stream.indirect.scatter.add.f32 [tilespmem:s16], [sflag:$0x3], $0x40, s31, s14, $0xb8;
	[tilespmem:$0x17C00] =	vst v63  }
0x2c: {  	_ =	swait.ge [sflag:s10], $0x2000  }
0x2d: {  	s24 =	simm.s32 $0x800;
	s23 =	simm.s32 $0x100;
	[sflag:s10] =	ssyncset.done $0x0  }
.LBB2_2:
0x2e: {  	s25 =	sadd.s32 $0x80, s23  }
0x2f: {  	[sflag:s10] =	ssyncadd.s32 $0xFFFFE000;
	s26 =	smov.u32 s24;
	s28 =	sadd.s32 $0x400, s24  }
0x30: {  	[tilespmem:s16], [sflag:$0x2] =	stream.indirect.gather [hbm4b:s4+s14], $0x40, s25, s14, $0xb8;
	[tilespmem:$0x17C00] =	vst v63  }
0x31: {  	p0 =	sne.s32 s24, $0x13400;
	_ =	swait.ge [sflag:s17], $0x2000  }
0x32: {  	[sflag:s17] =	ssyncset.done $0x0  }
0x33: {  	s24 =	sadd.s32 $0x4F00, s23;
	[sflag:s17] =	ssyncadd.s32 $0xFFFFE000  }
0x34: {  	[spmem:s2] =	stream.indirect.scatter.add.f32 [tilespmem:s15], [sflag:$0x3], $0x40, s24, s14, $0xb8;
	[tilespmem:$0x17C00] =	vst v63  }
0x35: {  	_ =	swait.ge [sflag:s10], $0x2000  }
0x36: {  	[sflag:s10] =	ssyncset.done $0x0  }
0x37: {  	s24 =	sadd.s32 $0x100, s23;
	[sflag:s10] =	ssyncadd.s32 $0xFFFFE000  }
0x38: {  	[tilespmem:s15], [sflag:$0x1] =	stream.indirect.gather [hbm4b:s4+s14], $0x40, s24, s14, $0xb8;
	[tilespmem:$0x17C00] =	vst v63  }
0x39: {  	_ =	swait.ge [sflag:s18], $0x2000  }
.Ltmp0:
0x3a: {  	[sflag:s18] =	ssyncset.done $0x0;
	(pc) =	sbr.rel @p0 .LBB2_2-.Ltmp0, $4  }
0x3b: {  	s23 =	sadd.s32 $0x4F80, s23;
	[sflag:s18] =	ssyncadd.s32 $0xFFFFE000  }
0x3c: {  	[spmem:s2] =	stream.indirect.scatter.add.f32 [tilespmem:s16], [sflag:$0x3], $0x40, s23, s14, $0xb8;
	[tilespmem:$0x17C00] =	vst v63  }
0x3d: {  	_ =	swait.ge [sflag:s10], $0x2000  }
0x3e: {  	s24 =	smov.u32 s28;
	s23 =	sshra.s32 s26, $0x2;
	[sflag:s10] =	ssyncset.done $0x0  }
0x3f: {  	s24 =	sadd.s32 $0x80, s23;
	[sflag:s10] =	ssyncadd.s32 $0xFFFFE000  }
0x40: {  	[tilespmem:s16], [sflag:$0x2] =	stream.indirect.gather [hbm4b:s4+s14], $0x40, s24, s14, $0xb8;
	[tilespmem:$0x17C00] =	vst v63  }
0x41: {  	_ =	swait.ge [sflag:s17], $0x2000  }
0x42: {  	[sflag:s17] =	ssyncset.done $0x0  }
0x43: {  	s29 =	sadd.s32 $0x4F00, s23;
	[sflag:s17] =	ssyncadd.s32 $0xFFFFE000  }
0x44: {  	[spmem:s2] =	stream.indirect.scatter.add.f32 [tilespmem:s15], [sflag:$0x3], $0x40, s29, s14, $0xb8;
	[tilespmem:$0x17C00] =	vst v63  }
0x45: {  	_ =	swait.ge [sflag:s10], $0x2000  }
0x46: {  	[sflag:s10] =	ssyncset.done $0x0  }
0x47: {  	s30 =	sadd.s32 $0x100, s23;
	[sflag:s10] =	ssyncadd.s32 $0xFFFFE000  }
0x48: {  	[tilespmem:s15], [sflag:$0x1] =	stream.indirect.gather [hbm4b:s4+s14], $0x40, s30, s14, $0xb8;
	[tilespmem:$0x17C00] =	vst v63  }
0x49: {  	_ =	swait.ge [sflag:s18], $0x2000  }
0x4a: {  	[sflag:s18] =	ssyncset.done $0x0  }
0x4b: {  	s31 =	sadd.s32 $0x4F80, s23;
	[sflag:s18] =	ssyncadd.s32 $0xFFFFE000  }
0x4c: {  	[spmem:s2] =	stream.indirect.scatter.add.f32 [tilespmem:s16], [sflag:$0x3], $0x40, s31, s14, $0xb8;
	[tilespmem:$0x17C00] =	vst v63  }
0x4d: {  	_ =	swait.ge [sflag:s10], $0x2000  }
0x4e: {  	[sflag:s10] =	ssyncset.done $0x0  }
0x4f: {  	[sflag:s10] =	ssyncadd.s32 $0xFFFFE000  }
0x50: {  	[tilespmem:s16], [sflag:$0x2] =	stream.indirect.gather [hbm4b:s4+s14], $0x40, s19, s14, $0xb8;
	[tilespmem:$0x17C00] =	vst v63  }
0x51: {  	_ =	swait.ge [sflag:s17], $0x2000  }
0x52: {  	[sflag:s17] =	ssyncset.done $0x0  }
0x53: {  	[sflag:s17] =	ssyncadd.s32 $0xFFFFE000  }
0x54: {  	[spmem:s2] =	stream.indirect.scatter.add.f32 [tilespmem:s15], [sflag:$0x3], $0x40, s20, s14, $0xb8;
	[tilespmem:$0x17C00] =	vst v63  }
0x55: {  	_ =	swait.ge [sflag:s10], $0x2000  }
0x56: {  	[sflag:s10] =	ssyncset.done $0x0  }
0x57: {  	[sflag:s10] =	ssyncadd.s32 $0xFFFFE000  }
0x58: {  	_ =	swait.ge [sflag:s18], $0x2000  }
0x59: {  	[sflag:s18] =	ssyncset.done $0x0  }
0x5a: {  	[sflag:s18] =	ssyncadd.s32 $0xFFFFE000  }
0x5b: {  	[spmem:s2] =	stream.indirect.scatter.add.f32 [tilespmem:s16], [sflag:$0x3], $0x40, s21, s14, $0xb8;
	[tilespmem:$0x17C00] =	vst v63  }
0x5c: {  	_ =	swait.ge [sflag:s10], $0x2000  }
0x5d: {  	s22 =	sadd.s32 $0x1, s22;
	[sflag:s10] =	ssyncset.done $0x0  }
0x5e: {  	p0 =	sne.s32 s22, s9;
	[sflag:s10] =	ssyncadd.s32 $0xFFFFE000  }
.Ltmp1:
0x5f: {  	[bflag:$0x0] =	sbarrier.arrive $0xFFFF;
	(pc) =	sbr.rel @p0 .LBB2_1-.Ltmp1, $4  }
0x60: {  	[hbm:s8], [sflag:s12] =	dma.local [spmem:s13], $0x13C0  }
0x61: {  	_ =	swait.ge [sflag:s10], $0x13C0  }
0x62: {  	[sflag:s10] =	ssyncset.done $0x0  }
0x63: {  	[sflag:s10] =	ssyncadd.s32 $0xFFFFEC40  }
0x64: {  	_ =	sfence.sel $0x180000  }
0x65: {  	[bflag:$0x0] =	sbarrier.arrive $0xFFFF  }
0x66: {  	p0 =	sne.s32 s0, $0x0;
	_ =	strace $0x90000050  }
0x67: {  	s0 =	sadd.s32 @!p0 $0x100000, s1;
	[bflag:$0x2] =	sbarrier.arrive $0xFFFF  }
0x68: {  	[sflag:s0] =	ssyncadd.tile.s32 @!p0 $0x1;
	_ =	shalt  }
.Lfunc_end2:
_tile_overlayer_lowered:
.L_overlay_start_2:
0x69: {  	(tag) =	ssettag $0x2  }
0x6a: {  	s0 =	rddreg [dreg:$0x0];
	s2 =	stileid.u32  }
0x6b: {  	s1 =	rddreg [dreg:$0x1];
	p0 =	sne.s32 s2, $0x0  }
0x6c: {  	s3 =	rddreg [dreg:$0x2];
	[bflag:$0x3] =	sbarrier.arrive $0xFFFF;
	s2 =	simm.s32 @!p0 $0x1C03  }
0x6d: {  	[timem:s3], [sflag:s2] =	dma.local @!p0 [hbm:s0], s1  }
0x6e: {  	s0 =	simm.s32 @!p0 $0x3  }
0x6f: {  	_ =	swait.ge @!p0 [sflag:s0], s1  }
0x70: {  	s1 =	ssub.s32 @!p0 $0x0, s1;
	[sflag:s0] =	ssyncset.done @!p0 $0x0  }
0x71: {  	[sflag:s0] =	ssyncadd.s32 @!p0 s1  }
0x72: {  	[bflag:$0x3] =	sbarrier.arrive $0xFFFF  }
0x73: {  	_ =	shalt  }

</sc_bundles>
